<compile_context>
chip_gen: v7x
topology: tpu7x:2x2x1
jax: 0.10.2.dev20260603
libtpu: 0.0.44.dev20260713+nightly
codegen_flags: <defaults>
</compile_context>

<pallas_src>
import jax
import jax.numpy as jnp
from jax import lax
from jax.experimental import pallas as pl
from jax.experimental.pallas import tpu as pltpu
from jax.experimental.pallas import tpu_sc as plsc

V = 8192
C = 256
B = 16
HW = 1024
N = B * HW

NW = 32
RPW = N // NW
CHUNK = 128
NCH = RPW // CHUNK

PAD_BASE = 40
PAD_ROWS = 1104


def _sc_body(emb_hbm, idx_hbm, z_hbm, cnt_hbm, idx_v, rows_v0, rows_v1,
             cnt_v, sem0, sem1):
    wid = lax.axis_index("c") * 16 + lax.axis_index("s")
    base = wid * RPW

    pltpu.sync_copy(idx_hbm.at[wid], idx_v)

    def _zero(j, _):
        cnt_v[pl.ds(j * 16, 16)] = jnp.zeros((16,), jnp.int32)
        return 0
    lax.fori_loop(0, V // 16, _zero, 0)

    ones = jnp.ones((16,), jnp.int32)
    bufs = (rows_v0, rows_v1)
    sems = (sem0, sem1)
    cp = pltpu.async_copy(emb_hbm.at[idx_v.at[0]], bufs[0], sems[0])
    for c in range(NCH):
        if c + 1 < NCH:
            cp_next = pltpu.async_copy(emb_hbm.at[idx_v.at[c + 1]],
                                       bufs[(c + 1) % 2], sems[(c + 1) % 2])

        def _count(j, _):
            iv = idx_v[c, pl.ds(j * 16, 16)]
            plsc.addupdate_scatter(cnt_v, [iv], ones)
            return 0
        lax.fori_loop(0, CHUNK // 16, _count, 0)

        cp.wait()
        pltpu.sync_copy(bufs[c % 2], z_hbm.at[pl.ds(base + c * CHUNK, CHUNK)])
        if c + 1 < NCH:
            cp = cp_next

    pltpu.sync_copy(cnt_v, cnt_hbm.at[wid])


def _sc_gather_count(emb, idx4):
    mesh = plsc.VectorSubcoreMesh(core_axis_name="c", subcore_axis_name="s")
    run = pl.kernel(
        _sc_body,
        out_type=(
            jax.ShapeDtypeStruct((N, C), jnp.float32),
            jax.ShapeDtypeStruct((NW, V), jnp.int32),
        ),
        mesh=mesh,
        compiler_params=pltpu.CompilerParams(needs_layout_passes=False),
        scratch_types=[
            pltpu.VMEM((NCH, CHUNK), jnp.int32),
            pltpu.VMEM((CHUNK, C), jnp.float32),
            pltpu.VMEM((CHUNK, C), jnp.float32),
            pltpu.VMEM((V,), jnp.int32),
            pltpu.SemaphoreType.DMA,
            pltpu.SemaphoreType.DMA,
        ],
    )
    return run(emb, idx4)


def _conv_body(z_ref, f_ref, w_ref, b_ref, out_ref, loss_ref, pad_ref):
    b = pl.program_id(0)
    nb = pl.num_programs(0)

    z = z_ref[...]
    pad_ref[...] = jnp.zeros((PAD_ROWS, C), jnp.float32)
    pad_ref[pl.ds(PAD_BASE, HW), :] = z

    x = lax.broadcasted_iota(jnp.int32, (HW, 1), 0) & 31
    mask_l = (x > 0).astype(jnp.float32)
    mask_r = (x < 31).astype(jnp.float32)

    acc = jnp.zeros((HW, C), jnp.float32)
    for kh in range(3):
        for kw in range(3):
            start = PAD_BASE + (kh - 1) * 32 + (kw - 1)
            s = pad_ref[pl.ds(start, HW), :]
            if kw == 0:
                s = s * mask_l
            elif kw == 2:
                s = s * mask_r
            acc = acc + lax.dot_general(
                s.astype(jnp.bfloat16),
                w_ref[pl.ds((kh * 3 + kw) * C, C), :],
                (((1,), (0,)), ((), ())),
                preferred_element_type=jnp.float32)

    y = acc + b_ref[...]
    fhat = z * 0.5 + y * 0.5
    out_ref[...] = fhat

    d = fhat - f_ref[...]
    part = jnp.sum(d * d, keepdims=True).reshape(1, 1)
    prev = jnp.where(b == 0, jnp.zeros((1, 1), jnp.float32), loss_ref[...])
    tot = prev + part
    loss_ref[...] = jnp.where(b == nb - 1, tot * (1.25 / (N * C)), tot)


def _conv_loss(z_NC, f_NC, w_taps, b2):
    return pl.pallas_call(
        _conv_body,
        grid=(B,),
        in_specs=[
            pl.BlockSpec((HW, C), lambda i: (i, 0)),
            pl.BlockSpec((HW, C), lambda i: (i, 0)),
            pl.BlockSpec((9 * C, C), lambda i: (0, 0)),
            pl.BlockSpec((1, C), lambda i: (0, 0)),
        ],
        out_specs=[
            pl.BlockSpec((HW, C), lambda i: (i, 0)),
            pl.BlockSpec((1, 1), lambda i: (0, 0)),
        ],
        out_shape=[
            jax.ShapeDtypeStruct((N, C), jnp.float32),
            jax.ShapeDtypeStruct((1, 1), jnp.float32),
        ],
        scratch_shapes=[pltpu.VMEM((PAD_ROWS, C), jnp.float32)],
    )(z_NC, f_NC, w_taps, b2)


@jax.jit
def kernel(f_BChw, emb_weight, conv_w, conv_b):
    f = f_BChw.astype(jnp.float32)
    q = f.transpose(0, 2, 3, 1).reshape(N, C)

    E = (jnp.sum(q ** 2, axis=1, keepdims=True)
         + jnp.sum(emb_weight ** 2, axis=1)
         - 2.0 * (q @ emb_weight.T))
    idx_N = jnp.argmin(E, axis=1)
    prob = jnp.bincount(idx_N, length=V).astype(jnp.float32)
    z, _cnt = _sc_gather_count(emb_weight, idx_N.reshape(NW, NCH, CHUNK))

    w_taps = (conv_w.transpose(2, 3, 1, 0).reshape(9 * C, C)
              .astype(jnp.bfloat16))
    fhat_NC, loss = _conv_loss(z, q, w_taps, conv_b.reshape(1, C))

    prob = prob / prob.sum()
    usage = jnp.mean((prob > 0.01 / V).astype(jnp.float32)) * 100.0
    fhat = fhat_NC.reshape(B, 32, 32, C).transpose(0, 3, 1, 2)
    return fhat, loss[0, 0], jnp.float32(0.0), usage

# --- scband reference (transcript-rebuilt; emitter-appended) ---
"""Pipeline reference for scband-vector-quantizer-58222576664787 (READ-ONLY COPY).

The authoritative reference and input builder live on the scoring server;
editing this copy changes nothing except your own understanding.
"""

import jax, jax.numpy as jnp
import numpy as np

VOCAB = 8192
C = 256
B = 16
H = 32
W = 32
BETA = 0.25
RESI = 0.5  # quant_resi=-0.5 -> ks=3, resi_ratio=0.5


def setup_inputs(seed: int = 0) -> dict:
    key = jax.random.key(seed)
    k1, k2, k3 = jax.random.split(key, 3)
    f_BChw = jax.random.normal(k1, (B, C, H, W), dtype=jnp.float32)
    emb_weight = jax.random.normal(k2, (VOCAB, C), dtype=jnp.float32) * 0.02
    conv_w = jax.random.normal(k3, (C, C, 3, 3), dtype=jnp.float32) * np.float32(1.0 / np.sqrt(C * 9))
    conv_b = jnp.zeros((C,), dtype=jnp.float32)
    return {"f_BChw": f_BChw, "emb_weight": emb_weight, "conv_w": conv_w, "conv_b": conv_b}


def _quant_resi(h_BChw, conv_w, conv_b):
    y = jax.lax.conv_general_dilated(
        h_BChw, conv_w.astype(h_BChw.dtype), window_strides=(1, 1), padding=((1, 1), (1, 1)),
        dimension_numbers=("NCHW", "OIHW", "NCHW"))
    y = y + conv_b.astype(h_BChw.dtype).reshape(1, -1, 1, 1)
    return h_BChw * (1.0 - RESI) + y * RESI


def reference(f_BChw, emb_weight, conv_w, conv_b):
    f = f_BChw.astype(jnp.float32)
    B_, C_, h, w = f.shape
    # queries (detached in torch)
    query_NxC = jax.lax.stop_gradient(f).transpose(0, 2, 3, 1).reshape(-1, C_)
    ew = jax.lax.stop_gradient(emb_weight)
    # vocab_norm == False -> squared L2 distance path
    E_dist = (jnp.sum(query_NxC ** 2, axis=1, keepdims=True)
              + jnp.sum(ew ** 2, axis=1)
              - 2.0 * (query_NxC @ ew.T))
    idx_N = jnp.argmin(E_dist, axis=1)
    prob = jnp.bincount(idx_N, length=VOCAB).astype(jnp.float32)
    idx_Bhw = idx_N.reshape(B_, h, w)
    z_BChw = emb_weight[idx_Bhw].transpose(0, 3, 1, 2)
    fhat_BChw = _quant_resi(z_BChw, conv_w, conv_b)
    vq_loss = (BETA * jnp.mean((jax.lax.stop_gradient(fhat_BChw) - f) ** 2)
               + jnp.mean((fhat_BChw - jax.lax.stop_gradient(f)) ** 2))
    fhat_st = jax.lax.stop_gradient(fhat_BChw - f) + f
    prob = prob / prob.sum()
    vocab_usage = jnp.mean((prob > 0.01 / VOCAB).astype(jnp.float32)) * 100.0
    entropy_loss = jnp.float32(0.0)
    return fhat_st, vq_loss, entropy_loss, vocab_usage

if __name__ == "__main__":
    import jax
    _d = setup_inputs()
    print(jax.jit(kernel)(*tuple(_d.values())))

</pallas_src>

<mosaic_0001>
#map = affine_map<(d0, d1) -> (0, 0)>
#map1 = affine_map<(d0, d1) -> (0, 0, 0)>
module attributes {stable_mosaic.version = 14 : i64} {
  func.func @_sc_body(%arg0: i32, %arg1: i32, %arg2: memref<8192x256xf32, #tpu.memory_space<hbm>>, %arg3: memref<32x4x128xi32, #tpu.memory_space<hbm>>, %arg4: memref<16384x256xf32, #tpu.memory_space<hbm>>, %arg5: memref<32x8192xi32, #tpu.memory_space<hbm>>, %arg6: memref<4x128xi32, #tpu.memory_space<vmem>>, %arg7: memref<128x256xf32, #tpu.memory_space<vmem>>, %arg8: memref<128x256xf32, #tpu.memory_space<vmem>>, %arg9: memref<8192xi32, #tpu.memory_space<vmem>>, %arg10: memref<!tpu.dma_semaphore, #tpu.memory_space<semaphore_mem>>, %arg11: memref<!tpu.dma_semaphore, #tpu.memory_space<semaphore_mem>>) attributes {dimension_semantics = [#tpu.dimension_semantics<core_parallel>, #tpu.dimension_semantics<subcore_parallel>], iteration_bounds = array<i64: 2, 16>, scalar_prefetch = 0 : i64, scratch_operands = 6 : i64, tpu.core_type = #tpu.core_type<sc_vector_subcore>, window_params = [{transform_indices = #map}, {transform_indices = #map1}, {transform_indices = #map}, {transform_indices = #map}]} {
    %mul3A = arith.constant 16 : i32
    %mul3A_0 = arith.muli %arg0, %mul3A : i32
    %add3A = arith.addi %mul3A_0, %arg1 : i32
    %mul3A_1 = arith.constant 512 : i32
    %mul3A_2 = arith.muli %add3A, %mul3A_1 : i32
    "tpu.region"() ({
      %run_scoped3A = tpu.sem_alloc : memref<!tpu.dma_semaphore, #tpu.memory_space<semaphore_mem>>
      %dma_start3A_100 = arith.constant 0 : i32
      %dma_start3A_101 = arith.constant 0 : i32
      %dma_start3A_102 = tpu.memref_slice %arg3[%add3A, %dma_start3A_100, %dma_start3A_101] : memref<32x4x128xi32, #tpu.memory_space<hbm>> -> memref<1x4x128xi32, #tpu.memory_space<hbm>>
      %dma_start3A_103 = tpu.memref_squeeze %dma_start3A_102 : memref<1x4x128xi32, #tpu.memory_space<hbm>> -> memref<4x128xi32, #tpu.memory_space<hbm>>
      %dma_start3A_104 = arith.constant 0 : i32
      %dma_start3A_105 = arith.constant 0 : i32
      %dma_start3A_106 = tpu.memref_slice %arg3[%add3A, %dma_start3A_104, %dma_start3A_105] : memref<32x4x128xi32, #tpu.memory_space<hbm>> -> memref<1x4x128xi32, #tpu.memory_space<hbm>>
      %dma_start3A_107 = tpu.memref_squeeze %dma_start3A_106 : memref<1x4x128xi32, #tpu.memory_space<hbm>> -> memref<4x128xi32, #tpu.memory_space<hbm>>
      tpu.enqueue_dma source(%dma_start3A_107 : memref<4x128xi32, #tpu.memory_space<hbm>>) target(%arg6 : memref<4x128xi32, #tpu.memory_space<vmem>>) target_semaphore(%run_scoped3A : memref<!tpu.dma_semaphore, #tpu.memory_space<semaphore_mem>>)
      %dma_wait3A_108 = arith.constant 0 : i32
      %dma_wait3A_109 = arith.constant 0 : i32
      %dma_wait3A_110 = tpu.memref_slice %arg3[%add3A, %dma_wait3A_108, %dma_wait3A_109] : memref<32x4x128xi32, #tpu.memory_space<hbm>> -> memref<1x4x128xi32, #tpu.memory_space<hbm>>
      %dma_wait3A_111 = tpu.memref_squeeze %dma_wait3A_110 : memref<1x4x128xi32, #tpu.memory_space<hbm>> -> memref<4x128xi32, #tpu.memory_space<hbm>>
      %dma_wait3A_112 = arith.constant 0 : i32
      %dma_wait3A_113 = arith.constant 0 : i32
      %dma_wait3A_114 = tpu.memref_slice %arg3[%add3A, %dma_wait3A_112, %dma_wait3A_113] : memref<32x4x128xi32, #tpu.memory_space<hbm>> -> memref<1x4x128xi32, #tpu.memory_space<hbm>>
      %dma_wait3A_115 = tpu.memref_squeeze %dma_wait3A_114 : memref<1x4x128xi32, #tpu.memory_space<hbm>> -> memref<4x128xi32, #tpu.memory_space<hbm>>
      tpu.wait_dma2 semaphore(%run_scoped3A : memref<!tpu.dma_semaphore, #tpu.memory_space<semaphore_mem>>) src(%dma_wait3A_115 : memref<4x128xi32, #tpu.memory_space<hbm>>) dst(%arg6 : memref<4x128xi32, #tpu.memory_space<vmem>>)
      tpu.yield
    }) : () -> ()
    %scan3A = arith.constant 0 : i32
    %scan3A_3 = arith.constant 0 : i32
    %scan3A_4 = arith.constant 512 : i32
    %scan3A_5 = arith.addi %scan3A_3, %scan3A_4 : i32
    %scan3A_6 = arith.constant 1 : i32
    %scan3A_7 = scf.for %scan3A_100 = %scan3A_3 to %scan3A_5 step %scan3A_6 iter_args(%scan3A_101 = %scan3A) -> (i32)  : i32 {
      %broadcast_in_dim3A_102 = arith.constant 0 : i32
      %broadcast_in_dim3A_103 = vector.broadcast %broadcast_in_dim3A_102 : i32 to vector<16xi32>
      %mul3A_104 = arith.constant 16 : i32
      %mul3A_105 = arith.muli %scan3A_100, %mul3A_104 : i32
      %swap3A = arith.index_cast %mul3A_105 : i32 to index
      %swap3A_106 = tpu.vector_load %arg9[%swap3A] {strides = array<i32>} : memref<8192xi32, #tpu.memory_space<vmem>>, vector<16xi32>,
      tpu.vector_store %arg9[%swap3A], %broadcast_in_dim3A_103 {strides = array<i32>} : memref<8192xi32, #tpu.memory_space<vmem>>, vector<16xi32>,
      %scan3A_107 = arith.constant 0 : i32
      scf.yield %scan3A_107 : i32
    }
    %scan3A_8 = arith.constant 512 : i32
    %broadcast_in_dim3A = arith.constant 1 : i32
    %broadcast_in_dim3A_9 = vector.broadcast %broadcast_in_dim3A : i32 to vector<16xi32>
    %dma_start3A = arith.constant 0 : i32
    %dma_start3A_10 = arith.constant 0 : i32
    %dma_start3A_11 = tpu.memref_slice %arg6[%dma_start3A, %dma_start3A_10] : memref<4x128xi32, #tpu.memory_space<vmem>> -> memref<1x128xi32, #tpu.memory_space<vmem>>
    %dma_start3A_12 = tpu.memref_squeeze %dma_start3A_11 : memref<1x128xi32, #tpu.memory_space<vmem>> -> memref<128xi32, #tpu.memory_space<vmem>>
    %dma_start3A_13 = arith.constant 0 : i32
    %dma_start3A_14 = arith.constant 0 : i32
    %dma_start3A_15 = tpu.memref_slice %arg2[%dma_start3A_13, %dma_start3A_14] : memref<8192x256xf32, #tpu.memory_space<hbm>> -> memref<8192x256xf32, #tpu.memory_space<hbm>>
    tpu.enqueue_indirect_dma source(%dma_start3A_15 : memref<8192x256xf32, #tpu.memory_space<hbm>>) target(%arg7 : memref<128x256xf32, #tpu.memory_space<vmem>>) offsets(%dma_start3A_12 : memref<128xi32, #tpu.memory_space<vmem>>) semaphore(%arg10 : memref<!tpu.dma_semaphore, #tpu.memory_space<semaphore_mem>>)
    %dma_start3A_16 = arith.constant 1 : i32
    %dma_start3A_17 = arith.constant 0 : i32
    %dma_start3A_18 = tpu.memref_slice %arg6[%dma_start3A_16, %dma_start3A_17] : memref<4x128xi32, #tpu.memory_space<vmem>> -> memref<1x128xi32, #tpu.memory_space<vmem>>
    %dma_start3A_19 = tpu.memref_squeeze %dma_start3A_18 : memref<1x128xi32, #tpu.memory_space<vmem>> -> memref<128xi32, #tpu.memory_space<vmem>>
    %dma_start3A_20 = arith.constant 0 : i32
    %dma_start3A_21 = arith.constant 0 : i32
    %dma_start3A_22 = tpu.memref_slice %arg2[%dma_start3A_20, %dma_start3A_21] : memref<8192x256xf32, #tpu.memory_space<hbm>> -> memref<8192x256xf32, #tpu.memory_space<hbm>>
    tpu.enqueue_indirect_dma source(%dma_start3A_22 : memref<8192x256xf32, #tpu.memory_space<hbm>>) target(%arg8 : memref<128x256xf32, #tpu.memory_space<vmem>>) offsets(%dma_start3A_19 : memref<128xi32, #tpu.memory_space<vmem>>) semaphore(%arg11 : memref<!tpu.dma_semaphore, #tpu.memory_space<semaphore_mem>>)
    %scan3A_23 = arith.constant 0 : i32
    %scan3A_24 = arith.constant 0 : i32
    %scan3A_25 = arith.constant 8 : i32
    %scan3A_26 = arith.addi %scan3A_24, %scan3A_25 : i32
    %scan3A_27 = arith.constant 1 : i32
    %scan3A_28 = scf.for %scan3A_100 = %scan3A_24 to %scan3A_26 step %scan3A_27 iter_args(%scan3A_101 = %scan3A_23) -> (i32)  : i32 {
      %mul3A_102 = arith.constant 16 : i32
      %mul3A_103 = arith.muli %scan3A_100, %mul3A_102 : i32
      %get3A = arith.constant 0 : i32
      %get3A_104 = arith.index_cast %get3A : i32 to index
      %get3A_105 = arith.index_cast %mul3A_103 : i32 to index
      %get3A_106 = tpu.vector_load %arg6[%get3A_104, %get3A_105] {strides = array<i32>} : memref<4x128xi32, #tpu.memory_space<vmem>>, vector<16xi32>,
      tpu.vector_store_idx %arg9[%get3A_106], %broadcast_in_dim3A_9 {add = true} : memref<8192xi32, #tpu.memory_space<vmem>>[vector<16xi32>], vector<16xi32>,
      %scan3A_107 = arith.constant 0 : i32
      scf.yield %scan3A_107 : i32
    }
    %scan3A_29 = arith.constant 8 : i32
    %dma_wait3A = arith.constant 0 : i32
    %dma_wait3A_30 = arith.constant 0 : i32
    %dma_wait3A_31 = tpu.memref_slice %arg6[%dma_wait3A, %dma_wait3A_30] : memref<4x128xi32, #tpu.memory_space<vmem>> -> memref<1x128xi32, #tpu.memory_space<vmem>>
    %dma_wait3A_32 = tpu.memref_squeeze %dma_wait3A_31 : memref<1x128xi32, #tpu.memory_space<vmem>> -> memref<128xi32, #tpu.memory_space<vmem>>
    %dma_wait3A_33 = arith.constant 0 : i32
    %dma_wait3A_34 = arith.constant 0 : i32
    %dma_wait3A_35 = tpu.memref_slice %arg2[%dma_wait3A_33, %dma_wait3A_34] : memref<8192x256xf32, #tpu.memory_space<hbm>> -> memref<8192x256xf32, #tpu.memory_space<hbm>>
    tpu.wait_indirect_dma semaphore(%arg10 : memref<!tpu.dma_semaphore, #tpu.memory_space<semaphore_mem>>) src(%dma_wait3A_35 : memref<8192x256xf32, #tpu.memory_space<hbm>>) dst(%arg7 : memref<128x256xf32, #tpu.memory_space<vmem>>)
    %add3A_36 = arith.constant 0 : i32
    %add3A_37 = arith.addi %mul3A_2, %add3A_36 : i32
    "tpu.region"() ({
      %run_scoped3A = tpu.sem_alloc : memref<!tpu.dma_semaphore, #tpu.memory_space<semaphore_mem>>
      %dma_start3A_100 = arith.constant 0 : i32
      %dma_start3A_101 = tpu.memref_slice %arg4[%add3A_37, %dma_start3A_100] : memref<16384x256xf32, #tpu.memory_space<hbm>> -> memref<128x256xf32, #tpu.memory_space<hbm>>
      %dma_start3A_102 = arith.constant 0 : i32
      %dma_start3A_103 = tpu.memref_slice %arg4[%add3A_37, %dma_start3A_102] : memref<16384x256xf32, #tpu.memory_space<hbm>> -> memref<128x256xf32, #tpu.memory_space<hbm>>
      tpu.enqueue_dma source(%arg7 : memref<128x256xf32, #tpu.memory_space<vmem>>) target(%dma_start3A_103 : memref<128x256xf32, #tpu.memory_space<hbm>>) target_semaphore(%run_scoped3A : memref<!tpu.dma_semaphore, #tpu.memory_space<semaphore_mem>>)
      %dma_wait3A_104 = arith.constant 0 : i32
      %dma_wait3A_105 = tpu.memref_slice %arg4[%add3A_37, %dma_wait3A_104] : memref<16384x256xf32, #tpu.memory_space<hbm>> -> memref<128x256xf32, #tpu.memory_space<hbm>>
      %dma_wait3A_106 = arith.constant 0 : i32
      %dma_wait3A_107 = tpu.memref_slice %arg4[%add3A_37, %dma_wait3A_106] : memref<16384x256xf32, #tpu.memory_space<hbm>> -> memref<128x256xf32, #tpu.memory_space<hbm>>
      tpu.wait_dma2 semaphore(%run_scoped3A : memref<!tpu.dma_semaphore, #tpu.memory_space<semaphore_mem>>) src(%arg7 : memref<128x256xf32, #tpu.memory_space<vmem>>) dst(%dma_wait3A_107 : memref<128x256xf32, #tpu.memory_space<hbm>>)
      tpu.yield
    }) : () -> ()
    %dma_start3A_38 = arith.constant 2 : i32
    %dma_start3A_39 = arith.constant 0 : i32
    %dma_start3A_40 = tpu.memref_slice %arg6[%dma_start3A_38, %dma_start3A_39] : memref<4x128xi32, #tpu.memory_space<vmem>> -> memref<1x128xi32, #tpu.memory_space<vmem>>
    %dma_start3A_41 = tpu.memref_squeeze %dma_start3A_40 : memref<1x128xi32, #tpu.memory_space<vmem>> -> memref<128xi32, #tpu.memory_space<vmem>>
    %dma_start3A_42 = arith.constant 0 : i32
    %dma_start3A_43 = arith.constant 0 : i32
    %dma_start3A_44 = tpu.memref_slice %arg2[%dma_start3A_42, %dma_start3A_43] : memref<8192x256xf32, #tpu.memory_space<hbm>> -> memref<8192x256xf32, #tpu.memory_space<hbm>>
    tpu.enqueue_indirect_dma source(%dma_start3A_44 : memref<8192x256xf32, #tpu.memory_space<hbm>>) target(%arg7 : memref<128x256xf32, #tpu.memory_space<vmem>>) offsets(%dma_start3A_41 : memref<128xi32, #tpu.memory_space<vmem>>) semaphore(%arg10 : memref<!tpu.dma_semaphore, #tpu.memory_space<semaphore_mem>>)
    %scan3A_45 = arith.constant 0 : i32
    %scan3A_46 = arith.constant 0 : i32
    %scan3A_47 = arith.constant 8 : i32
    %scan3A_48 = arith.addi %scan3A_46, %scan3A_47 : i32
    %scan3A_49 = arith.constant 1 : i32
    %scan3A_50 = scf.for %scan3A_100 = %scan3A_46 to %scan3A_48 step %scan3A_49 iter_args(%scan3A_101 = %scan3A_45) -> (i32)  : i32 {
      %mul3A_102 = arith.constant 16 : i32
      %mul3A_103 = arith.muli %scan3A_100, %mul3A_102 : i32
      %get3A = arith.constant 1 : i32
      %get3A_104 = arith.index_cast %get3A : i32 to index
      %get3A_105 = arith.index_cast %mul3A_103 : i32 to index
      %get3A_106 = tpu.vector_load %arg6[%get3A_104, %get3A_105] {strides = array<i32>} : memref<4x128xi32, #tpu.memory_space<vmem>>, vector<16xi32>,
      tpu.vector_store_idx %arg9[%get3A_106], %broadcast_in_dim3A_9 {add = true} : memref<8192xi32, #tpu.memory_space<vmem>>[vector<16xi32>], vector<16xi32>,
      %scan3A_107 = arith.constant 0 : i32
      scf.yield %scan3A_107 : i32
    }
    %scan3A_51 = arith.constant 8 : i32
    %dma_wait3A_52 = arith.constant 1 : i32
    %dma_wait3A_53 = arith.constant 0 : i32
    %dma_wait3A_54 = tpu.memref_slice %arg6[%dma_wait3A_52, %dma_wait3A_53] : memref<4x128xi32, #tpu.memory_space<vmem>> -> memref<1x128xi32, #tpu.memory_space<vmem>>
    %dma_wait3A_55 = tpu.memref_squeeze %dma_wait3A_54 : memref<1x128xi32, #tpu.memory_space<vmem>> -> memref<128xi32, #tpu.memory_space<vmem>>
    %dma_wait3A_56 = arith.constant 0 : i32
    %dma_wait3A_57 = arith.constant 0 : i32
    %dma_wait3A_58 = tpu.memref_slice %arg2[%dma_wait3A_56, %dma_wait3A_57] : memref<8192x256xf32, #tpu.memory_space<hbm>> -> memref<8192x256xf32, #tpu.memory_space<hbm>>
    tpu.wait_indirect_dma semaphore(%arg11 : memref<!tpu.dma_semaphore, #tpu.memory_space<semaphore_mem>>) src(%dma_wait3A_58 : memref<8192x256xf32, #tpu.memory_space<hbm>>) dst(%arg8 : memref<128x256xf32, #tpu.memory_space<vmem>>)
    %add3A_59 = arith.constant 128 : i32
    %add3A_60 = arith.addi %mul3A_2, %add3A_59 : i32
    "tpu.region"() ({
      %run_scoped3A = tpu.sem_alloc : memref<!tpu.dma_semaphore, #tpu.memory_space<semaphore_mem>>
      %dma_start3A_100 = arith.constant 0 : i32
      %dma_start3A_101 = tpu.memref_slice %arg4[%add3A_60, %dma_start3A_100] : memref<16384x256xf32, #tpu.memory_space<hbm>> -> memref<128x256xf32, #tpu.memory_space<hbm>>
      %dma_start3A_102 = arith.constant 0 : i32
      %dma_start3A_103 = tpu.memref_slice %arg4[%add3A_60, %dma_start3A_102] : memref<16384x256xf32, #tpu.memory_space<hbm>> -> memref<128x256xf32, #tpu.memory_space<hbm>>
      tpu.enqueue_dma source(%arg8 : memref<128x256xf32, #tpu.memory_space<vmem>>) target(%dma_start3A_103 : memref<128x256xf32, #tpu.memory_space<hbm>>) target_semaphore(%run_scoped3A : memref<!tpu.dma_semaphore, #tpu.memory_space<semaphore_mem>>)
      %dma_wait3A_104 = arith.constant 0 : i32
      %dma_wait3A_105 = tpu.memref_slice %arg4[%add3A_60, %dma_wait3A_104] : memref<16384x256xf32, #tpu.memory_space<hbm>> -> memref<128x256xf32, #tpu.memory_space<hbm>>
      %dma_wait3A_106 = arith.constant 0 : i32
      %dma_wait3A_107 = tpu.memref_slice %arg4[%add3A_60, %dma_wait3A_106] : memref<16384x256xf32, #tpu.memory_space<hbm>> -> memref<128x256xf32, #tpu.memory_space<hbm>>
      tpu.wait_dma2 semaphore(%run_scoped3A : memref<!tpu.dma_semaphore, #tpu.memory_space<semaphore_mem>>) src(%arg8 : memref<128x256xf32, #tpu.memory_space<vmem>>) dst(%dma_wait3A_107 : memref<128x256xf32, #tpu.memory_space<hbm>>)
      tpu.yield
    }) : () -> ()
    %dma_start3A_61 = arith.constant 3 : i32
    %dma_start3A_62 = arith.constant 0 : i32
    %dma_start3A_63 = tpu.memref_slice %arg6[%dma_start3A_61, %dma_start3A_62] : memref<4x128xi32, #tpu.memory_space<vmem>> -> memref<1x128xi32, #tpu.memory_space<vmem>>
    %dma_start3A_64 = tpu.memref_squeeze %dma_start3A_63 : memref<1x128xi32, #tpu.memory_space<vmem>> -> memref<128xi32, #tpu.memory_space<vmem>>
    %dma_start3A_65 = arith.constant 0 : i32
    %dma_start3A_66 = arith.constant 0 : i32
    %dma_start3A_67 = tpu.memref_slice %arg2[%dma_start3A_65, %dma_start3A_66] : memref<8192x256xf32, #tpu.memory_space<hbm>> -> memref<8192x256xf32, #tpu.memory_space<hbm>>
    tpu.enqueue_indirect_dma source(%dma_start3A_67 : memref<8192x256xf32, #tpu.memory_space<hbm>>) target(%arg8 : memref<128x256xf32, #tpu.memory_space<vmem>>) offsets(%dma_start3A_64 : memref<128xi32, #tpu.memory_space<vmem>>) semaphore(%arg11 : memref<!tpu.dma_semaphore, #tpu.memory_space<semaphore_mem>>)
    %scan3A_68 = arith.constant 0 : i32
    %scan3A_69 = arith.constant 0 : i32
    %scan3A_70 = arith.constant 8 : i32
    %scan3A_71 = arith.addi %scan3A_69, %scan3A_70 : i32
    %scan3A_72 = arith.constant 1 : i32
    %scan3A_73 = scf.for %scan3A_100 = %scan3A_69 to %scan3A_71 step %scan3A_72 iter_args(%scan3A_101 = %scan3A_68) -> (i32)  : i32 {
      %mul3A_102 = arith.constant 16 : i32
      %mul3A_103 = arith.muli %scan3A_100, %mul3A_102 : i32
      %get3A = arith.constant 2 : i32
      %get3A_104 = arith.index_cast %get3A : i32 to index
      %get3A_105 = arith.index_cast %mul3A_103 : i32 to index
      %get3A_106 = tpu.vector_load %arg6[%get3A_104, %get3A_105] {strides = array<i32>} : memref<4x128xi32, #tpu.memory_space<vmem>>, vector<16xi32>,
      tpu.vector_store_idx %arg9[%get3A_106], %broadcast_in_dim3A_9 {add = true} : memref<8192xi32, #tpu.memory_space<vmem>>[vector<16xi32>], vector<16xi32>,
      %scan3A_107 = arith.constant 0 : i32
      scf.yield %scan3A_107 : i32
    }
    %scan3A_74 = arith.constant 8 : i32
    %dma_wait3A_75 = arith.constant 2 : i32
    %dma_wait3A_76 = arith.constant 0 : i32
    %dma_wait3A_77 = tpu.memref_slice %arg6[%dma_wait3A_75, %dma_wait3A_76] : memref<4x128xi32, #tpu.memory_space<vmem>> -> memref<1x128xi32, #tpu.memory_space<vmem>>
    %dma_wait3A_78 = tpu.memref_squeeze %dma_wait3A_77 : memref<1x128xi32, #tpu.memory_space<vmem>> -> memref<128xi32, #tpu.memory_space<vmem>>
    %dma_wait3A_79 = arith.constant 0 : i32
    %dma_wait3A_80 = arith.constant 0 : i32
    %dma_wait3A_81 = tpu.memref_slice %arg2[%dma_wait3A_79, %dma_wait3A_80] : memref<8192x256xf32, #tpu.memory_space<hbm>> -> memref<8192x256xf32, #tpu.memory_space<hbm>>
    tpu.wait_indirect_dma semaphore(%arg10 : memref<!tpu.dma_semaphore, #tpu.memory_space<semaphore_mem>>) src(%dma_wait3A_81 : memref<8192x256xf32, #tpu.memory_space<hbm>>) dst(%arg7 : memref<128x256xf32, #tpu.memory_space<vmem>>)
    %add3A_82 = arith.constant 256 : i32
    %add3A_83 = arith.addi %mul3A_2, %add3A_82 : i32
    "tpu.region"() ({
      %run_scoped3A = tpu.sem_alloc : memref<!tpu.dma_semaphore, #tpu.memory_space<semaphore_mem>>
      %dma_start3A_100 = arith.constant 0 : i32
      %dma_start3A_101 = tpu.memref_slice %arg4[%add3A_83, %dma_start3A_100] : memref<16384x256xf32, #tpu.memory_space<hbm>> -> memref<128x256xf32, #tpu.memory_space<hbm>>
      %dma_start3A_102 = arith.constant 0 : i32
      %dma_start3A_103 = tpu.memref_slice %arg4[%add3A_83, %dma_start3A_102] : memref<16384x256xf32, #tpu.memory_space<hbm>> -> memref<128x256xf32, #tpu.memory_space<hbm>>
      tpu.enqueue_dma source(%arg7 : memref<128x256xf32, #tpu.memory_space<vmem>>) target(%dma_start3A_103 : memref<128x256xf32, #tpu.memory_space<hbm>>) target_semaphore(%run_scoped3A : memref<!tpu.dma_semaphore, #tpu.memory_space<semaphore_mem>>)
      %dma_wait3A_104 = arith.constant 0 : i32
      %dma_wait3A_105 = tpu.memref_slice %arg4[%add3A_83, %dma_wait3A_104] : memref<16384x256xf32, #tpu.memory_space<hbm>> -> memref<128x256xf32, #tpu.memory_space<hbm>>
      %dma_wait3A_106 = arith.constant 0 : i32
      %dma_wait3A_107 = tpu.memref_slice %arg4[%add3A_83, %dma_wait3A_106] : memref<16384x256xf32, #tpu.memory_space<hbm>> -> memref<128x256xf32, #tpu.memory_space<hbm>>
      tpu.wait_dma2 semaphore(%run_scoped3A : memref<!tpu.dma_semaphore, #tpu.memory_space<semaphore_mem>>) src(%arg7 : memref<128x256xf32, #tpu.memory_space<vmem>>) dst(%dma_wait3A_107 : memref<128x256xf32, #tpu.memory_space<hbm>>)
      tpu.yield
    }) : () -> ()
    %scan3A_84 = arith.constant 0 : i32
    %scan3A_85 = arith.constant 0 : i32
    %scan3A_86 = arith.constant 8 : i32
    %scan3A_87 = arith.addi %scan3A_85, %scan3A_86 : i32
    %scan3A_88 = arith.constant 1 : i32
    %scan3A_89 = scf.for %scan3A_100 = %scan3A_85 to %scan3A_87 step %scan3A_88 iter_args(%scan3A_101 = %scan3A_84) -> (i32)  : i32 {
      %mul3A_102 = arith.constant 16 : i32
      %mul3A_103 = arith.muli %scan3A_100, %mul3A_102 : i32
      %get3A = arith.constant 3 : i32
      %get3A_104 = arith.index_cast %get3A : i32 to index
      %get3A_105 = arith.index_cast %mul3A_103 : i32 to index
      %get3A_106 = tpu.vector_load %arg6[%get3A_104, %get3A_105] {strides = array<i32>} : memref<4x128xi32, #tpu.memory_space<vmem>>, vector<16xi32>,
      tpu.vector_store_idx %arg9[%get3A_106], %broadcast_in_dim3A_9 {add = true} : memref<8192xi32, #tpu.memory_space<vmem>>[vector<16xi32>], vector<16xi32>,
      %scan3A_107 = arith.constant 0 : i32
      scf.yield %scan3A_107 : i32
    }
    %scan3A_90 = arith.constant 8 : i32
    %dma_wait3A_91 = arith.constant 3 : i32
    %dma_wait3A_92 = arith.constant 0 : i32
    %dma_wait3A_93 = tpu.memref_slice %arg6[%dma_wait3A_91, %dma_wait3A_92] : memref<4x128xi32, #tpu.memory_space<vmem>> -> memref<1x128xi32, #tpu.memory_space<vmem>>
    %dma_wait3A_94 = tpu.memref_squeeze %dma_wait3A_93 : memref<1x128xi32, #tpu.memory_space<vmem>> -> memref<128xi32, #tpu.memory_space<vmem>>
    %dma_wait3A_95 = arith.constant 0 : i32
    %dma_wait3A_96 = arith.constant 0 : i32
    %dma_wait3A_97 = tpu.memref_slice %arg2[%dma_wait3A_95, %dma_wait3A_96] : memref<8192x256xf32, #tpu.memory_space<hbm>> -> memref<8192x256xf32, #tpu.memory_space<hbm>>
    tpu.wait_indirect_dma semaphore(%arg11 : memref<!tpu.dma_semaphore, #tpu.memory_space<semaphore_mem>>) src(%dma_wait3A_97 : memref<8192x256xf32, #tpu.memory_space<hbm>>) dst(%arg8 : memref<128x256xf32, #tpu.memory_space<vmem>>)
    %add3A_98 = arith.constant 384 : i32
    %add3A_99 = arith.addi %mul3A_2, %add3A_98 : i32
    "tpu.region"() ({
      %run_scoped3A = tpu.sem_alloc : memref<!tpu.dma_semaphore, #tpu.memory_space<semaphore_mem>>
      %dma_start3A_100 = arith.constant 0 : i32
      %dma_start3A_101 = tpu.memref_slice %arg4[%add3A_99, %dma_start3A_100] : memref<16384x256xf32, #tpu.memory_space<hbm>> -> memref<128x256xf32, #tpu.memory_space<hbm>>
      %dma_start3A_102 = arith.constant 0 : i32
      %dma_start3A_103 = tpu.memref_slice %arg4[%add3A_99, %dma_start3A_102] : memref<16384x256xf32, #tpu.memory_space<hbm>> -> memref<128x256xf32, #tpu.memory_space<hbm>>
      tpu.enqueue_dma source(%arg8 : memref<128x256xf32, #tpu.memory_space<vmem>>) target(%dma_start3A_103 : memref<128x256xf32, #tpu.memory_space<hbm>>) target_semaphore(%run_scoped3A : memref<!tpu.dma_semaphore, #tpu.memory_space<semaphore_mem>>)
      %dma_wait3A_104 = arith.constant 0 : i32
      %dma_wait3A_105 = tpu.memref_slice %arg4[%add3A_99, %dma_wait3A_104] : memref<16384x256xf32, #tpu.memory_space<hbm>> -> memref<128x256xf32, #tpu.memory_space<hbm>>
      %dma_wait3A_106 = arith.constant 0 : i32
      %dma_wait3A_107 = tpu.memref_slice %arg4[%add3A_99, %dma_wait3A_106] : memref<16384x256xf32, #tpu.memory_space<hbm>> -> memref<128x256xf32, #tpu.memory_space<hbm>>
      tpu.wait_dma2 semaphore(%run_scoped3A : memref<!tpu.dma_semaphore, #tpu.memory_space<semaphore_mem>>) src(%arg8 : memref<128x256xf32, #tpu.memory_space<vmem>>) dst(%dma_wait3A_107 : memref<128x256xf32, #tpu.memory_space<hbm>>)
      tpu.yield
    }) : () -> ()
    "tpu.region"() ({
      %run_scoped3A = tpu.sem_alloc : memref<!tpu.dma_semaphore, #tpu.memory_space<semaphore_mem>>
      %dma_start3A_100 = arith.constant 0 : i32
      %dma_start3A_101 = tpu.memref_slice %arg5[%add3A, %dma_start3A_100] : memref<32x8192xi32, #tpu.memory_space<hbm>> -> memref<1x8192xi32, #tpu.memory_space<hbm>>
      %dma_start3A_102 = tpu.memref_squeeze %dma_start3A_101 : memref<1x8192xi32, #tpu.memory_space<hbm>> -> memref<8192xi32, #tpu.memory_space<hbm>>
      %dma_start3A_103 = arith.constant 0 : i32
      %dma_start3A_104 = tpu.memref_slice %arg5[%add3A, %dma_start3A_103] : memref<32x8192xi32, #tpu.memory_space<hbm>> -> memref<1x8192xi32, #tpu.memory_space<hbm>>
      %dma_start3A_105 = tpu.memref_squeeze %dma_start3A_104 : memref<1x8192xi32, #tpu.memory_space<hbm>> -> memref<8192xi32, #tpu.memory_space<hbm>>
      tpu.enqueue_dma source(%arg9 : memref<8192xi32, #tpu.memory_space<vmem>>) target(%dma_start3A_105 : memref<8192xi32, #tpu.memory_space<hbm>>) target_semaphore(%run_scoped3A : memref<!tpu.dma_semaphore, #tpu.memory_space<semaphore_mem>>)
      %dma_wait3A_106 = arith.constant 0 : i32
      %dma_wait3A_107 = tpu.memref_slice %arg5[%add3A, %dma_wait3A_106] : memref<32x8192xi32, #tpu.memory_space<hbm>> -> memref<1x8192xi32, #tpu.memory_space<hbm>>
      %dma_wait3A_108 = tpu.memref_squeeze %dma_wait3A_107 : memref<1x8192xi32, #tpu.memory_space<hbm>> -> memref<8192xi32, #tpu.memory_space<hbm>>
      %dma_wait3A_109 = arith.constant 0 : i32
      %dma_wait3A_110 = tpu.memref_slice %arg5[%add3A, %dma_wait3A_109] : memref<32x8192xi32, #tpu.memory_space<hbm>> -> memref<1x8192xi32, #tpu.memory_space<hbm>>
      %dma_wait3A_111 = tpu.memref_squeeze %dma_wait3A_110 : memref<1x8192xi32, #tpu.memory_space<hbm>> -> memref<8192xi32, #tpu.memory_space<hbm>>
      tpu.wait_dma2 semaphore(%run_scoped3A : memref<!tpu.dma_semaphore, #tpu.memory_space<semaphore_mem>>) src(%arg9 : memref<8192xi32, #tpu.memory_space<vmem>>) dst(%dma_wait3A_111 : memref<8192xi32, #tpu.memory_space<hbm>>)
      tpu.yield
    }) : () -> ()
    return
  }
}

module attributes {stable_mosaic.version = 14 : i64} {
  func.func @_conv_body(%arg0: i32, %arg1: memref<1024x256xf32, #tpu.memory_space<vmem>>, %arg2: memref<1024x256xf32, #tpu.memory_space<vmem>>, %arg3: memref<2304x256xbf16, #tpu.memory_space<vmem>>, %arg4: memref<1x256xf32, #tpu.memory_space<vmem>>, %arg5: memref<1024x256xf32, #tpu.memory_space<vmem>>, %arg6: memref<1x1xf32, #tpu.memory_space<vmem>>, %arg7: memref<1104x256xf32, #tpu.memory_space<vmem>>) attributes {dimension_semantics = [#tpu.dimension_semantics<arbitrary>], iteration_bounds = array<i64: 16>, scalar_prefetch = 0 : i64, scratch_operands = 1 : i64, tpu.core_type = #tpu.core_type<tc>, window_params = [{transform_indices = @transform_0, window_bounds = array<i64: 1024, 256>}, {transform_indices = @transform_1, window_bounds = array<i64: 1024, 256>}, {pipeline_mode = #tpu.pipeline_mode<synchronous>, transform_indices = @transform_2, window_bounds = array<i64: 2304, 256>}, {pipeline_mode = #tpu.pipeline_mode<synchronous>, transform_indices = @transform_3, window_bounds = array<i64: 1, 256>}, {transform_indices = @transform_4, window_bounds = array<i64: 1024, 256>}, {pipeline_mode = #tpu.pipeline_mode<synchronous>, transform_indices = @transform_5, window_bounds = array<i64: 1, 1>}]} {
    %get3A = arith.constant 0 : index
    %get3A_0 = arith.constant 0 : index
    %get3A_1 = vector.load %arg1[%get3A, %get3A_0] : memref<1024x256xf32, #tpu.memory_space<vmem>>, vector<1024x256xf32>
    %broadcast_in_dim3A = arith.constant 0.000000e+00 : f32
    %broadcast_in_dim3A_2 = vector.broadcast %broadcast_in_dim3A : f32 to vector<1104x256xf32>
    %swap3A = arith.constant 0 : index
    %swap3A_3 = arith.constant 0 : index
    %swap3A_4 = vector.load %arg7[%swap3A, %swap3A_3] : memref<1104x256xf32, #tpu.memory_space<vmem>>, vector<1104x256xf32>
    tpu.vector_store %arg7[%swap3A, %swap3A_3], %broadcast_in_dim3A_2 {strides = array<i32>} : memref<1104x256xf32, #tpu.memory_space<vmem>>, vector<1104x256xf32>,
    %swap3A_5 = arith.constant 40 : index
    %swap3A_6 = arith.constant 0 : index
    %swap3A_7 = vector.load %arg7[%swap3A_5, %swap3A_6] : memref<1104x256xf32, #tpu.memory_space<vmem>>, vector<1024x256xf32>
    tpu.vector_store %arg7[%swap3A_5, %swap3A_6], %get3A_1 {strides = array<i32>} : memref<1104x256xf32, #tpu.memory_space<vmem>>, vector<1024x256xf32>,
    %iota3A = tpu.iota {dimensions = array<i32: 0>} : vector<1024x1xi32>
    %and3A = arith.constant 31 : i32
    %and3A_8 = vector.broadcast %and3A : i32 to vector<1024x1xi32>
    %and3A_9 = arith.andi %iota3A, %and3A_8 : vector<1024x1xi32>
    %gt3A = arith.constant 0 : i32
    %gt3A_10 = vector.broadcast %gt3A : i32 to vector<1024x1xi32>
    %gt3A_11 = arith.cmpi sgt, %and3A_9, %gt3A_10 : vector<1024x1xi32>
    %convert_element_type3A = arith.extui %gt3A_11 : vector<1024x1xi1> to vector<1024x1xi32>
    %convert_element_type3A_12 = arith.sitofp %convert_element_type3A : vector<1024x1xi32> to vector<1024x1xf32>
    %lt3A = arith.constant 31 : i32
    %lt3A_13 = vector.broadcast %lt3A : i32 to vector<1024x1xi32>
    %lt3A_14 = arith.cmpi slt, %and3A_9, %lt3A_13 : vector<1024x1xi32>
    %convert_element_type3A_15 = arith.extui %lt3A_14 : vector<1024x1xi1> to vector<1024x1xi32>
    %convert_element_type3A_16 = arith.sitofp %convert_element_type3A_15 : vector<1024x1xi32> to vector<1024x1xf32>
    %broadcast_in_dim3A_17 = arith.constant 0.000000e+00 : f32
    %broadcast_in_dim3A_18 = vector.broadcast %broadcast_in_dim3A_17 : f32 to vector<1024x256xf32>
    %get3A_19 = arith.constant 7 : index
    %get3A_20 = arith.constant 0 : index
    %get3A_21 = vector.load %arg7[%get3A_19, %get3A_20] : memref<1104x256xf32, #tpu.memory_space<vmem>>, vector<1024x256xf32>
    %mul3A = vector.broadcast %convert_element_type3A_12 : vector<1024x1xf32> to vector<1024x256xf32>
    %mul3A_22 = arith.mulf %get3A_21, %mul3A : vector<1024x256xf32>
    %convert_element_type3A_23 = arith.truncf %mul3A_22 : vector<1024x256xf32> to vector<1024x256xbf16>
    %get3A_24 = arith.constant 0 : index
    %get3A_25 = arith.constant 0 : index
    %get3A_26 = vector.load %arg3[%get3A_24, %get3A_25] : memref<2304x256xbf16, #tpu.memory_space<vmem>>, vector<256x256xbf16>
    %dot_general3A = arith.constant dense<0.000000e+00> : vector<1024x256xf32>
    %dot_general3A_27 = tpu.matmul %convert_element_type3A_23, %get3A_26, %dot_general3A {dimension_numbers = #tpu.dot_dimension_numbers<[1], [0], [0], [1], [0, 0, 1, 1], [], []>, transpose_lhs_hint = false} : vector<1024x256xbf16>, vector<256x256xbf16>, vector<1024x256xf32> -> vector<1024x256xf32>
    %add3A = arith.addf %broadcast_in_dim3A_18, %dot_general3A_27 : vector<1024x256xf32>
    %get3A_28 = arith.constant 8 : index
    %get3A_29 = arith.constant 0 : index
    %get3A_30 = vector.load %arg7[%get3A_28, %get3A_29] : memref<1104x256xf32, #tpu.memory_space<vmem>>, vector<1024x256xf32>
    %convert_element_type3A_31 = arith.truncf %get3A_30 : vector<1024x256xf32> to vector<1024x256xbf16>
    %get3A_32 = arith.constant 256 : index
    %get3A_33 = arith.constant 0 : index
    %get3A_34 = vector.load %arg3[%get3A_32, %get3A_33] : memref<2304x256xbf16, #tpu.memory_space<vmem>>, vector<256x256xbf16>
    %dot_general3A_35 = arith.constant dense<0.000000e+00> : vector<1024x256xf32>
    %dot_general3A_36 = tpu.matmul %convert_element_type3A_31, %get3A_34, %dot_general3A_35 {dimension_numbers = #tpu.dot_dimension_numbers<[1], [0], [0], [1], [0, 0, 1, 1], [], []>, transpose_lhs_hint = false} : vector<1024x256xbf16>, vector<256x256xbf16>, vector<1024x256xf32> -> vector<1024x256xf32>
    %add3A_37 = arith.addf %add3A, %dot_general3A_36 : vector<1024x256xf32>
    %get3A_38 = arith.constant 9 : index
    %get3A_39 = arith.constant 0 : index
    %get3A_40 = vector.load %arg7[%get3A_38, %get3A_39] : memref<1104x256xf32, #tpu.memory_space<vmem>>, vector<1024x256xf32>
    %mul3A_41 = vector.broadcast %convert_element_type3A_16 : vector<1024x1xf32> to vector<1024x256xf32>
    %mul3A_42 = arith.mulf %get3A_40, %mul3A_41 : vector<1024x256xf32>
    %convert_element_type3A_43 = arith.truncf %mul3A_42 : vector<1024x256xf32> to vector<1024x256xbf16>
    %get3A_44 = arith.constant 512 : index
    %get3A_45 = arith.constant 0 : index
    %get3A_46 = vector.load %arg3[%get3A_44, %get3A_45] : memref<2304x256xbf16, #tpu.memory_space<vmem>>, vector<256x256xbf16>
    %dot_general3A_47 = arith.constant dense<0.000000e+00> : vector<1024x256xf32>
    %dot_general3A_48 = tpu.matmul %convert_element_type3A_43, %get3A_46, %dot_general3A_47 {dimension_numbers = #tpu.dot_dimension_numbers<[1], [0], [0], [1], [0, 0, 1, 1], [], []>, transpose_lhs_hint = false} : vector<1024x256xbf16>, vector<256x256xbf16>, vector<1024x256xf32> -> vector<1024x256xf32>
    %add3A_49 = arith.addf %add3A_37, %dot_general3A_48 : vector<1024x256xf32>
    %get3A_50 = arith.constant 39 : index
    %get3A_51 = arith.constant 0 : index
    %get3A_52 = vector.load %arg7[%get3A_50, %get3A_51] : memref<1104x256xf32, #tpu.memory_space<vmem>>, vector<1024x256xf32>
    %mul3A_53 = vector.broadcast %convert_element_type3A_12 : vector<1024x1xf32> to vector<1024x256xf32>
    %mul3A_54 = arith.mulf %get3A_52, %mul3A_53 : vector<1024x256xf32>
    %convert_element_type3A_55 = arith.truncf %mul3A_54 : vector<1024x256xf32> to vector<1024x256xbf16>
    %get3A_56 = arith.constant 768 : index
    %get3A_57 = arith.constant 0 : index
    %get3A_58 = vector.load %arg3[%get3A_56, %get3A_57] : memref<2304x256xbf16, #tpu.memory_space<vmem>>, vector<256x256xbf16>
    %dot_general3A_59 = arith.constant dense<0.000000e+00> : vector<1024x256xf32>
    %dot_general3A_60 = tpu.matmul %convert_element_type3A_55, %get3A_58, %dot_general3A_59 {dimension_numbers = #tpu.dot_dimension_numbers<[1], [0], [0], [1], [0, 0, 1, 1], [], []>, transpose_lhs_hint = false} : vector<1024x256xbf16>, vector<256x256xbf16>, vector<1024x256xf32> -> vector<1024x256xf32>
    %add3A_61 = arith.addf %add3A_49, %dot_general3A_60 : vector<1024x256xf32>
    %get3A_62 = arith.constant 40 : index
    %get3A_63 = arith.constant 0 : index
    %get3A_64 = vector.load %arg7[%get3A_62, %get3A_63] : memref<1104x256xf32, #tpu.memory_space<vmem>>, vector<1024x256xf32>
    %convert_element_type3A_65 = arith.truncf %get3A_64 : vector<1024x256xf32> to vector<1024x256xbf16>
    %get3A_66 = arith.constant 1024 : index
    %get3A_67 = arith.constant 0 : index
    %get3A_68 = vector.load %arg3[%get3A_66, %get3A_67] : memref<2304x256xbf16, #tpu.memory_space<vmem>>, vector<256x256xbf16>
    %dot_general3A_69 = arith.constant dense<0.000000e+00> : vector<1024x256xf32>
    %dot_general3A_70 = tpu.matmul %convert_element_type3A_65, %get3A_68, %dot_general3A_69 {dimension_numbers = #tpu.dot_dimension_numbers<[1], [0], [0], [1], [0, 0, 1, 1], [], []>, transpose_lhs_hint = false} : vector<1024x256xbf16>, vector<256x256xbf16>, vector<1024x256xf32> -> vector<1024x256xf32>
    %add3A_71 = arith.addf %add3A_61, %dot_general3A_70 : vector<1024x256xf32>
    %get3A_72 = arith.constant 41 : index
    %get3A_73 = arith.constant 0 : index
    %get3A_74 = vector.load %arg7[%get3A_72, %get3A_73] : memref<1104x256xf32, #tpu.memory_space<vmem>>, vector<1024x256xf32>
    %mul3A_75 = vector.broadcast %convert_element_type3A_16 : vector<1024x1xf32> to vector<1024x256xf32>
    %mul3A_76 = arith.mulf %get3A_74, %mul3A_75 : vector<1024x256xf32>
    %convert_element_type3A_77 = arith.truncf %mul3A_76 : vector<1024x256xf32> to vector<1024x256xbf16>
    %get3A_78 = arith.constant 1280 : index
    %get3A_79 = arith.constant 0 : index
    %get3A_80 = vector.load %arg3[%get3A_78, %get3A_79] : memref<2304x256xbf16, #tpu.memory_space<vmem>>, vector<256x256xbf16>
    %dot_general3A_81 = arith.constant dense<0.000000e+00> : vector<1024x256xf32>
    %dot_general3A_82 = tpu.matmul %convert_element_type3A_77, %get3A_80, %dot_general3A_81 {dimension_numbers = #tpu.dot_dimension_numbers<[1], [0], [0], [1], [0, 0, 1, 1], [], []>, transpose_lhs_hint = false} : vector<1024x256xbf16>, vector<256x256xbf16>, vector<1024x256xf32> -> vector<1024x256xf32>
    %add3A_83 = arith.addf %add3A_71, %dot_general3A_82 : vector<1024x256xf32>
    %get3A_84 = arith.constant 71 : index
    %get3A_85 = arith.constant 0 : index
    %get3A_86 = vector.load %arg7[%get3A_84, %get3A_85] : memref<1104x256xf32, #tpu.memory_space<vmem>>, vector<1024x256xf32>
    %mul3A_87 = vector.broadcast %convert_element_type3A_12 : vector<1024x1xf32> to vector<1024x256xf32>
    %mul3A_88 = arith.mulf %get3A_86, %mul3A_87 : vector<1024x256xf32>
    %convert_element_type3A_89 = arith.truncf %mul3A_88 : vector<1024x256xf32> to vector<1024x256xbf16>
    %get3A_90 = arith.constant 1536 : index
    %get3A_91 = arith.constant 0 : index
    %get3A_92 = vector.load %arg3[%get3A_90, %get3A_91] : memref<2304x256xbf16, #tpu.memory_space<vmem>>, vector<256x256xbf16>
    %dot_general3A_93 = arith.constant dense<0.000000e+00> : vector<1024x256xf32>
    %dot_general3A_94 = tpu.matmul %convert_element_type3A_89, %get3A_92, %dot_general3A_93 {dimension_numbers = #tpu.dot_dimension_numbers<[1], [0], [0], [1], [0, 0, 1, 1], [], []>, transpose_lhs_hint = false} : vector<1024x256xbf16>, vector<256x256xbf16>, vector<1024x256xf32> -> vector<1024x256xf32>
    %add3A_95 = arith.addf %add3A_83, %dot_general3A_94 : vector<1024x256xf32>
    %get3A_96 = arith.constant 72 : index
    %get3A_97 = arith.constant 0 : index
    %get3A_98 = vector.load %arg7[%get3A_96, %get3A_97] : memref<1104x256xf32, #tpu.memory_space<vmem>>, vector<1024x256xf32>
    %convert_element_type3A_99 = arith.truncf %get3A_98 : vector<1024x256xf32> to vector<1024x256xbf16>
    %get3A_100 = arith.constant 1792 : index
    %get3A_101 = arith.constant 0 : index
    %get3A_102 = vector.load %arg3[%get3A_100, %get3A_101] : memref<2304x256xbf16, #tpu.memory_space<vmem>>, vector<256x256xbf16>
    %dot_general3A_103 = arith.constant dense<0.000000e+00> : vector<1024x256xf32>
    %dot_general3A_104 = tpu.matmul %convert_element_type3A_99, %get3A_102, %dot_general3A_103 {dimension_numbers = #tpu.dot_dimension_numbers<[1], [0], [0], [1], [0, 0, 1, 1], [], []>, transpose_lhs_hint = false} : vector<1024x256xbf16>, vector<256x256xbf16>, vector<1024x256xf32> -> vector<1024x256xf32>
    %add3A_105 = arith.addf %add3A_95, %dot_general3A_104 : vector<1024x256xf32>
    %get3A_106 = arith.constant 73 : index
    %get3A_107 = arith.constant 0 : index
    %get3A_108 = vector.load %arg7[%get3A_106, %get3A_107] : memref<1104x256xf32, #tpu.memory_space<vmem>>, vector<1024x256xf32>
    %mul3A_109 = vector.broadcast %convert_element_type3A_16 : vector<1024x1xf32> to vector<1024x256xf32>
    %mul3A_110 = arith.mulf %get3A_108, %mul3A_109 : vector<1024x256xf32>
    %convert_element_type3A_111 = arith.truncf %mul3A_110 : vector<1024x256xf32> to vector<1024x256xbf16>
    %get3A_112 = arith.constant 2048 : index
    %get3A_113 = arith.constant 0 : index
    %get3A_114 = vector.load %arg3[%get3A_112, %get3A_113] : memref<2304x256xbf16, #tpu.memory_space<vmem>>, vector<256x256xbf16>
    %dot_general3A_115 = arith.constant dense<0.000000e+00> : vector<1024x256xf32>
    %dot_general3A_116 = tpu.matmul %convert_element_type3A_111, %get3A_114, %dot_general3A_115 {dimension_numbers = #tpu.dot_dimension_numbers<[1], [0], [0], [1], [0, 0, 1, 1], [], []>, transpose_lhs_hint = false} : vector<1024x256xbf16>, vector<256x256xbf16>, vector<1024x256xf32> -> vector<1024x256xf32>
    %add3A_117 = arith.addf %add3A_105, %dot_general3A_116 : vector<1024x256xf32>
    %get3A_118 = arith.constant 0 : index
    %get3A_119 = arith.constant 0 : index
    %get3A_120 = vector.load %arg4[%get3A_118, %get3A_119] : memref<1x256xf32, #tpu.memory_space<vmem>>, vector<1x256xf32>
    %add3A_121 = vector.broadcast %get3A_120 : vector<1x256xf32> to vector<1024x256xf32>
    %add3A_122 = arith.addf %add3A_117, %add3A_121 : vector<1024x256xf32>
    %mul3A_123 = arith.constant 5.000000e-01 : f32
    %mul3A_124 = vector.broadcast %mul3A_123 : f32 to vector<1024x256xf32>
    %mul3A_125 = arith.mulf %get3A_1, %mul3A_124 : vector<1024x256xf32>
    %mul3A_126 = arith.constant 5.000000e-01 : f32
    %mul3A_127 = vector.broadcast %mul3A_126 : f32 to vector<1024x256xf32>
    %mul3A_128 = arith.mulf %add3A_122, %mul3A_127 : vector<1024x256xf32>
    %add3A_129 = arith.addf %mul3A_125, %mul3A_128 : vector<1024x256xf32>
    %swap3A_130 = arith.constant 0 : index
    %swap3A_131 = arith.constant 0 : index
    %swap3A_132 = vector.load %arg5[%swap3A_130, %swap3A_131] : memref<1024x256xf32, #tpu.memory_space<vmem>>, vector<1024x256xf32>
    tpu.vector_store %arg5[%swap3A_130, %swap3A_131], %add3A_129 {strides = array<i32>} : memref<1024x256xf32, #tpu.memory_space<vmem>>, vector<1024x256xf32>,
    %get3A_133 = arith.constant 0 : index
    %get3A_134 = arith.constant 0 : index
    %get3A_135 = vector.load %arg2[%get3A_133, %get3A_134] : memref<1024x256xf32, #tpu.memory_space<vmem>>, vector<1024x256xf32>
    %sub3A = arith.subf %add3A_129, %get3A_135 : vector<1024x256xf32>
    %mul3A_136 = arith.mulf %sub3A, %sub3A : vector<1024x256xf32>
    %reduce_sum3A = vector.shape_cast %mul3A_136 : vector<1024x256xf32> to vector<1x1024x256xf32>
    %reduce_sum3A_137 = arith.constant dense<0.000000e+00> : vector<1xf32>
    %reduce_sum3A_138 = vector.multi_reduction <add>, %reduce_sum3A, %reduce_sum3A_137 [1, 2] : vector<1x1024x256xf32> to vector<1xf32>
    %reduce_sum3A_139 = vector.shape_cast %reduce_sum3A_138 : vector<1xf32> to vector<1x1x1xf32>
    %reduce_sum3A_140 = vector.extract %reduce_sum3A_139[0, 0, 0] : f32 from vector<1x1x1xf32>
    %broadcast_in_dim3A_141 = vector.broadcast %reduce_sum3A_140 : f32 to vector<1x1xf32>
    %eq3A = arith.constant 0 : i32
    %eq3A_142 = arith.cmpi eq, %arg0, %eq3A : i32
    %broadcast_in_dim3A_143 = arith.constant 0.000000e+00 : f32
    %broadcast_in_dim3A_144 = vector.broadcast %broadcast_in_dim3A_143 : f32 to vector<1x1xf32>
    %get3A_145 = arith.constant 0 : index
    %get3A_146 = arith.constant 0 : index
    %get3A_147 = vector.load %arg6[%get3A_145, %get3A_146] : memref<1x1xf32, #tpu.memory_space<vmem>>, vector<1x1xf32>
    %select_n3A = arith.select %eq3A_142, %broadcast_in_dim3A_144, %get3A_147 : vector<1x1xf32>
    %add3A_148 = arith.addf %select_n3A, %broadcast_in_dim3A_141 : vector<1x1xf32>
    %eq3A_149 = arith.constant 15 : i32
    %eq3A_150 = arith.cmpi eq, %arg0, %eq3A_149 : i32
    %mul3A_151 = arith.constant 2.98023224E-7 : f32
    %mul3A_152 = vector.broadcast %mul3A_151 : f32 to vector<1x1xf32>
    %mul3A_153 = arith.mulf %add3A_148, %mul3A_152 : vector<1x1xf32>
    %select_n3A_154 = arith.select %eq3A_150, %mul3A_153, %add3A_148 : vector<1x1xf32>
    %swap3A_155 = arith.constant 0 : index
    %swap3A_156 = arith.constant 0 : index
    %swap3A_157 = vector.load %arg6[%swap3A_155, %swap3A_156] : memref<1x1xf32, #tpu.memory_space<vmem>>, vector<1x1xf32>
    tpu.vector_store %arg6[%swap3A_155, %swap3A_156], %select_n3A_154 {strides = array<i32>} : memref<1x1xf32, #tpu.memory_space<vmem>>, vector<1x1xf32>,
    return
  }
  func.func @transform_0(%arg0: i32) -> (i32, i32) {
    %c0_i32 = arith.constant 0 : i32
    %c0_i32_0 = arith.constant 0 : i32
    return %arg0, %c0_i32 : i32, i32
  }
  func.func @transform_1(%arg0: i32) -> (i32, i32) {
    %c0_i32 = arith.constant 0 : i32
    %c0_i32_0 = arith.constant 0 : i32
    return %arg0, %c0_i32 : i32, i32
  }
  func.func @transform_2(%arg0: i32) -> (i32, i32) {
    %c0_i32 = arith.constant 0 : i32
    %c0_i32_0 = arith.constant 0 : i32
    %c0_i32_1 = arith.constant 0 : i32
    return %c0_i32, %c0_i32_0 : i32, i32
  }
  func.func @transform_3(%arg0: i32) -> (i32, i32) {
    %c0_i32 = arith.constant 0 : i32
    %c0_i32_0 = arith.constant 0 : i32
    %c0_i32_1 = arith.constant 0 : i32
    return %c0_i32, %c0_i32_0 : i32, i32
  }
  func.func @transform_4(%arg0: i32) -> (i32, i32) {
    %c0_i32 = arith.constant 0 : i32
    %c0_i32_0 = arith.constant 0 : i32
    return %arg0, %c0_i32 : i32, i32
  }
  func.func @transform_5(%arg0: i32) -> (i32, i32) {
    %c0_i32 = arith.constant 0 : i32
    %c0_i32_0 = arith.constant 0 : i32
    %c0_i32_1 = arith.constant 0 : i32
    return %c0_i32, %c0_i32_0 : i32, i32
  }
}

</mosaic_0001>

<sc_bundles>
// kernel: kernel.4.cloned.1.call-start
scs
__scs_entry_jumppad:
0x0: {  	(pc) =	sbr.rel $0x88, $3  }
0x1: {  	(tag) =	ssettag $0x0;
	lr =	simm.s32 $0x1  }
0x2: {  	[smem:$0x3F9D] =	sst lr;
	_ =	strace $0xD0000000  }
0x3: {  	_ = 	snop  }
0x4: {  	_ = 	snop  }
0x5: {  	_ = 	snop  }
0x6: {  	_ = 	snop  }
0x7: {  	_ = 	snop  }
__scs_overlays_trampoline_lowered:
0x8: {  	[smem:$0x3FAC] =	sst s0  }
0x9: {  	[smem:$0x3FAD] =	sst s1  }
0xa: {  	[smem:$0x3FAE] =	sst s2  }
0xb: {  	[smem:$0x3FAF] =	sst s3  }
0xc: {  	[smem:$0x3FB0] =	sst s4  }
0xd: {  	[smem:$0x3FB1] =	sst s5  }
0xe: {  	[smem:$0x3FB2] =	sst s6  }
0xf: {  	[smem:$0x3FB3] =	sst s7  }
0x10: {  	[smem:$0x3FB4] =	sst s8  }
0x11: {  	[smem:$0x3FB5] =	sst s9;
	s0 =	simm.s32 @!p0 $0x0  }
0x12: {  	s1 =	sld [smem:$0x3F9B];
	s0 =	simm.s32 @p0 $0x1  }
0x13: {  	[smem:$0x3FB6] =	sst s0;
	s0 =	simm.s32 @!p1 $0x0  }
0x14: {  	s2 =	sld [smem:$0x3F9A];
	s0 =	simm.s32 @p1 $0x1  }
0x15: {  	[smem:$0x3FB7] =	sst s0;
	s0 =	simm.s32 @!p2 $0x0  }
0x16: {  	s3 =	sld [smem:$0x3FDB];
	s0 =	simm.s32 @p2 $0x1  }
0x17: {  	s4 =	simm.s32 $0x1BF5;
	[smem:$0x3FB9] =	sst s0  }
0x18: {  	s0 =	sld [smem:$0x3F9C];
	_ =	swait.ge [sflag:s4], $0x0  }
0x19: {  	s7 =	sld [smem:$0x3F9D]  }
0x1a: {  	s8 =	sadd.s32 $0xFFFFE003, lr  }
0x1b: {  	s9 =	sadd.s32 $0xFFFFFEF7, lr;
	s5 =	simm.s32 $0xFFFFFFFF;
	p2 =	slt.u32 s8, $0xFFFFF086  }
0x1c: {  	p1 =	slt.u32 s9, $0xF7A;
	s5 =	simm.s32 @!p2 $0x0  }
0x1d: {  	s5 =	simm.s32 @p1 $0x1;
	p0 =	seq.s32 s7, s2  }
0x1e: {  	s7 =	smul.u32 @!p0 $0xF7A, s2;
	p2 =	seq.s32 @!p0 s5, $0x0  }
0x1f: {  	s9 =	smul.u32 $0xF7A, s1;
	s8 =	simm.s32 @!p0 $0x1BF5;
	p2 =	por !p2, p0  }
0x20: {  	[sflag:s8] =	ssyncset.s32 @!p0 $0xFFFFF086;
	s6 =	sadd.s32 @!p0 s3, s7;
	s7 =	simm.s32 @!p0 $0x108  }
0x21: {  	s3 =	sadd.s32 s3, s9;
	s6 =	sadd.s32 @!p0 $0x88, s6;
	s7 =	simm.s32 @p2 $0x1082  }
0x22: {  	[simem:s7], [sflag:s8] =	dma.local @!p0 [hbm:s6], $0xF7A  }
0x23: {  	s9 =	sor.u32 $0xD0000000, s2;
	s6 =	simm.s32 $0x108;
	_ =	swait.ge @!p0 [sflag:s8], $0x0  }
0x24: {  	s3 =	sadd.s32 $0x88, s3;
	s6 =	simm.s32 @!p1 $0x1082;
	[sflag:s4] =	ssyncset.s32 $0xFFFFF086  }
0x25: {  	[simem:s6], [sflag:s4] =	dma.local [hbm:s3], $0xF7A  }
0x26: {  	[smem:$0x3F9D] =	sst s1;
	(tag) =	ssettag s2;
	_ =	strace s9  }
0x27: {  	s1 =	sld [smem:$0x3FAD]  }
0x28: {  	s2 =	sld [smem:$0x3FAE]  }
0x29: {  	s4 =	sld [smem:$0x3FB0]  }
0x2a: {  	p0 =	seq.s32 s5, $0x0;
	s5 =	sld [smem:$0x3FB1]  }
0x2b: {  	s6 =	sld [smem:$0x3FB2]  }
0x2c: {  	s7 =	sld [smem:$0x3FB3]  }
0x2d: {  	s3 =	simm.s32 $0x108;
	s8 =	sld [smem:$0x3FB4]  }
0x2e: {  	s3 =	simm.s32 @!p0 $0x1082;
	s9 =	sld [smem:$0x3FB5]  }
0x2f: {  	lr =	sadd.s32 s0, s3;
	s0 =	sld [smem:$0x3FAC]  }
0x30: {  	s3 =	sld [smem:$0x3FAF]  }
0x31: {  	[smem:$0x3FB8] =	sst s10  }
0x32: {  	s10 =	sld [smem:$0x3FB6];
	_ =	sdelay $0x3  }
0x33: {  	p0 =	seq.s32 s10, $0x1;
	s10 =	sld [smem:$0x3FB8];
	_ =	sdelay $0x3  }
0x34: {  	[smem:$0x3FB8] =	sst s10  }
0x35: {  	s10 =	sld [smem:$0x3FB7];
	_ =	sdelay $0x3  }
0x36: {  	p1 =	seq.s32 s10, $0x1;
	s10 =	sld [smem:$0x3FB8];
	_ =	sdelay $0x3  }
0x37: {  	[smem:$0x3FB8] =	sst s10  }
0x38: {  	s10 =	sld [smem:$0x3FB9]  }
0x39: {  	_ = 	snop;
	(pc) =	sbr.ind lr, $3  }
0x3a: {  	_ = 	snop  }
0x3b: {  	_ = 	snop  }
0x3c: {  	p2 =	seq.s32 s10, $0x1;
	s10 =	sld [smem:$0x3FB8]  }
0x3d: {  	_ =	shalt  }
0x3e: {  	_ =	shalt  }
0x3f: {  	_ =	shalt  }
0x40: {  	_ =	shalt  }
0x41: {  	_ =	shalt  }
0x42: {  	_ =	shalt  }
0x43: {  	_ =	shalt  }
0x44: {  	_ =	shalt  }
0x45: {  	_ =	shalt  }
0x46: {  	_ =	shalt  }
0x47: {  	_ =	shalt  }
0x48: {  	_ =	shalt  }
0x49: {  	_ =	shalt  }
0x4a: {  	_ =	shalt  }
0x4b: {  	_ =	shalt  }
0x4c: {  	_ =	shalt  }
0x4d: {  	_ =	shalt  }
0x4e: {  	_ =	shalt  }
0x4f: {  	_ =	shalt  }
0x50: {  	_ =	shalt  }
0x51: {  	_ =	shalt  }
0x52: {  	_ =	shalt  }
0x53: {  	_ =	shalt  }
0x54: {  	_ =	shalt  }
0x55: {  	_ =	shalt  }
0x56: {  	_ =	shalt  }
0x57: {  	_ =	shalt  }
0x58: {  	_ =	shalt  }
0x59: {  	_ =	shalt  }
0x5a: {  	_ =	shalt  }
0x5b: {  	_ =	shalt  }
0x5c: {  	_ =	shalt  }
0x5d: {  	_ =	shalt  }
0x5e: {  	_ =	shalt  }
0x5f: {  	_ =	shalt  }
0x60: {  	_ =	shalt  }
0x61: {  	_ =	shalt  }
0x62: {  	_ =	shalt  }
0x63: {  	_ =	shalt  }
0x64: {  	_ =	shalt  }
0x65: {  	_ =	shalt  }
0x66: {  	_ =	shalt  }
0x67: {  	_ =	shalt  }
0x68: {  	_ =	shalt  }
0x69: {  	_ =	shalt  }
0x6a: {  	_ =	shalt  }
0x6b: {  	_ =	shalt  }
0x6c: {  	_ =	shalt  }
0x6d: {  	_ =	shalt  }
0x6e: {  	_ =	shalt  }
0x6f: {  	_ =	shalt  }
0x70: {  	_ =	shalt  }
0x71: {  	_ =	shalt  }
0x72: {  	_ =	shalt  }
0x73: {  	_ =	shalt  }
0x74: {  	_ =	shalt  }
0x75: {  	_ =	shalt  }
0x76: {  	_ =	shalt  }
0x77: {  	_ =	shalt  }
0x78: {  	_ =	shalt  }
0x79: {  	_ =	shalt  }
0x7a: {  	_ =	shalt  }
0x7b: {  	_ =	shalt  }
0x7c: {  	_ =	shalt  }
0x7d: {  	_ =	shalt  }
0x7e: {  	_ =	shalt  }
0x7f: {  	_ =	shalt  }
0x80: {  	_ =	shalt  }
0x81: {  	_ =	shalt  }
0x82: {  	_ =	shalt  }
0x83: {  	_ =	shalt  }
0x84: {  	_ =	shalt  }
0x85: {  	_ =	shalt  }
0x86: {  	_ =	shalt  }
0x87: {  	_ =	shalt  }
.Lfunc_end0:
.L_simem_size_0:
called_computation.1_lowered:
.L_overlay_start_0:
0x88: {  	s2 =	sld [smem:$0x3FD9]  }
0x89: {  	s3 =	sld [smem:$0x3FFE];
	_ =	sdelay $0x1  }
0x8a: {  	s1 =	srdreg.scid  }
0x8b: {  	s0 =	sand.u32 $0x1, s1  }
0x8c: {  	s15 =	sshll.u32 s0, $0xA;
	s2 =	sadd.s32 s3, s2  }
0x8d: {  	s2 =	sadd.s32 s2, s15  }
0x8e: {  	[smem:$0x3FC4] =	sst s2  }
0x8f: {  	_ = 	snop  }
0x90: {  	s16 =	sld [smem:$0x3FD0];
	_ =	sdelay $0x2  }
0x91: {  	s4 =	simm.s32 $0xB;
	s5 =	simm.s32 $0x10;
	s2 =	sld [smem:$0x3FC8]  }
0x92: {  	[smem:s5], [sflag:s4] =	dma.local [hbm:s16], $0x1  }
0x93: {  	_ =	swait.eq [sflag:s4], $0x1  }
0x94: {  	[sflag:s4] =	ssyncset.done $0x0  }
0x95: {  	[sflag:s4] =	ssyncadd.s32 $0xFFFFFFFF  }
0x96: {  	s17 =	sld [smem:$0x10];
	(tm) =	ssettm $0x1  }
0x97: {  	s18 =	sld [smem:$0x3FFB];
	_ =	sdelay $0x3  }
0x98: {  	_ =	strace s18  }
0x99: {  	s3 =	sld [smem:$0x3FFC];
	_ =	sdelay $0x3  }
0x9a: {  	_ =	strace s3  }
0x9b: {  	s3 =	sld [smem:$0x3FFD];
	_ =	sdelay $0x3  }
0x9c: {  	_ =	strace s3  }
0x9d: {  	_ =	strace $0x8FFFFFFF  }
0x9e: {  	s19 =	sld [smem:$0x3FDB];
	_ =	sdelay $0x1  }
0x9f: {  	s20 =	simm.s32 $_scs_section_size  }
0xa0: {  	s6 =	simm.s32 $_size__tile_overlayer_lowered;
	s7 =	simm.s32 $_tile_overlayer_lowered  }
0xa1: {  	s8 =	simm.s32 $0x1BFF;
	s21 =	sshll.u32 s7, $0x1;
	s5 =	sadd.s32 s20, s19  }
0xa2: {  	s22 =	simm.s32 $0x0;
	s6 =	sshll.u32 s6, $0x1;
	s7 =	sadd.s32 s21, s5  }
0xa3: {  	[timem:s22], [sflag:s8] =	dma.local [hbm:s7], s6  }
0xa4: {  	_ =	swait.ge [sflag:s8], s6  }
0xa5: {  	s6 =	ssub.s32 $0x0, s6;
	[sflag:s8] =	ssyncset.done $0x0  }
0xa6: {  	[sflag:s8] =	ssyncadd.s32 s6;
	_ =	sdelay $0x1  }
0xa7: {  	s23 =	simm.s32 $0x1B8B  }
0xa8: {  	_ =	swait.ge [sflag:s23], $0x1  }
0xa9: {  	[sflag:s23] =	ssyncset.done $0x0  }
0xaa: {  	[sflag:s23] =	ssyncadd.s32 $0xFFFFFFFF  }
0xab: {  	s6 =	sld [smem:$0x0]  }
0xac: {  	s7 =	sand.u32 $0xFFFFFFFE, s1  }
0xad: {  	p0 =	sne.s32 s1, s7  }
0xae: {  	s7 =	sshll.u32 @p0 s7, $0xE  }
0xaf: {  	s7 =	sadd.s32 @p0 $0x11B8D, s7;
	s8 =	sshll.u32 @p0 s6, $0x11  }
0xb0: {  	s7 =	sor.u32 @p0 s8, s7  }
0xb1: {  	[sflag:s7] =	ssyncadd.remote.s32 @p0 $0x1;
	_ =	sdelay $0x1  }
0xb2: {  	s7 =	simm.s32 @p0 $0x1B8D  }
0xb3: {  	_ =	swait.eq @p0 [sflag:s7], $0x1  }
0xb4: {  	[sflag:s7] =	ssyncadd.s32 @p0 $0xFFFFFFFF  }
0xb5: {  	s8 =	sshll.u32 @!p0 s1, $0xE  }
0xb6: {  	s8 =	sor.u32 @!p0 $0x4000, s8;
	s7 =	simm.s32 @!p0 $0x1B8D  }
0xb7: {  	s6 =	sshll.u32 @!p0 s6, $0x11;
	s8 =	sadd.s32 @!p0 $0x11B8D, s8;
	_ =	swait.eq @!p0 [sflag:s7], $0x1  }
0xb8: {  	s6 =	sor.u32 @!p0 s6, s8;
	[sflag:s7] =	ssyncadd.s32 @!p0 $0xFFFFFFFF  }
0xb9: {  	s25 =	simm.s32 $0x1B8E;
	s24 =	sld [smem:$0x3FFE];
	[sflag:s6] =	ssyncadd.remote.s32 @!p0 $0x1  }
0xba: {  	s26 =	simm.s32 $execute0_lowered;
	[smem:$0x3FD2] =	sst s25  }
0xbb: {  	s7 =	sshll.u32 s26, $0x1;
	_ =	strace $0x80000049;
	[dreg:$0x1] =	wrdreg $0xFFFFFFFF  }
0xbc: {  	s28 =	simm.s32 $_size_execute0_lowered;
	s5 =	sadd.s32 s5, s7;
	[dreg:$0x0] =	wrdreg $0x0  }
0xbd: {  	s7 =	sshll.u32 s28, $0x1;
	[dreg:$0x2] =	wrdreg s5  }
0xbe: {  	[dreg:$0x3] =	wrdreg s7  }
0xbf: {  	[dreg:$0x4] =	wrdreg $0xC0  }
0xc0: {  	_ =	task [dreg:s22], $0x5FFFF  }
0xc1: {  	[dreg:$0x1] =	wrdreg $0xFFFFFFFF  }
0xc2: {  	[dreg:$0x0] =	wrdreg $0x60  }
0xc3: {  	[dreg:$0x2] =	wrdreg s2  }
0xc4: {  	[dreg:$0x3] =	wrdreg s24  }
0xc5: {  	[dreg:$0x4] =	wrdreg s17  }
0xc6: {  	[dreg:$0x5] =	wrdreg $0xA  }
0xc7: {  	_ =	task.clear_ibuf [dreg:s22], $0x6FFFF;
	_ =	strace $0x90000049  }
0xc8: {  	s29 =	simm.s32 $0xA;
	_ =	strace $0x8000004B  }
0xc9: {  	_ =	swait.ge [sflag:s29], $0x1  }
0xca: {  	[sflag:s29] =	ssyncadd.s32 $0xFFFFFFFF  }
0xcb: {  	_ =	strace $0x9000004B  }
0xcc: {  	_ =	sfence  }
0xcd: {  	s30 =	sld [smem:$0x0];
	_ =	sdelay $0x2  }
0xce: {  	s31 =	sshll.u32 s1, $0xD;
	s1 =	sshrl.u32 s1, $0x2  }
0xcf: {  	s4 =	sand.u32 $0x4000, s31;
	s1 =	sadd.s32 s1, s30  }
0xd0: {  	s0 =	sor.u32 s4, s0;
	s1 =	sshll.u32 s1, $0x11  }
0xd1: {  	s0 =	sor.u32 s1, s0  }
0xd2: {  	s0 =	sadd.s32 $0x8F2B, s0  }
0xd3: {  	[sflag:s0] =	ssyncadd.remote.s32 $0x1  }
0xd4: {  	_ =	sfence.sel $0xFFFF  }
0xd5: {  	[dreg:$0x0] =	wrdreg $0xFFFFFFFF;
	(pc) =	sbr.abs _section_cstart, $3  }
0xd6: {  	[dreg:$0x1] =	wrdreg $0xFFFFFFFF  }
0xd7: {  	_ =	task.clear_ibuf [dreg:s22], $0x2FFFF;
	_ =	strace $0x9FFFFFFF  }
0xd8: {  	(tm) =	ssettm $0x7FFFFFFF  }
0xd9: {  	_ =	shalt  }
tec
execute0_lowered:
.L_overlay_start_1:
0x0: {  	(tag) =	ssettag $0x1  }
0x1: {  	s1 =	rddreg [dreg:$0x0]  }
0x2: {  	s0 =	rddreg [dreg:$0x1]  }
0x3: {  	s2 =	rddreg [dreg:$0x2]  }
0x4: {  	s3 =	simm.s32 $0x0;
	s4 =	srdreg.scid;
	s9 =	stileid.u32  }
0x5: {  	s11 =	simm.s32 $0x3;
	s10 =	simm.s32 $0x10200;
	s28 =	simm.s32 $0x3200  }
0x6: {  	s30 =	simm.s32 $0x3A00;
	s31 =	simm.s32 $0x4200;
	s13 =	simm.s32 $0x6200  }
0x7: {  	s14 =	simm.s32 $0x7200;
	s19 =	simm.s32 $0x8200;
	s15 =	simm.s32 $0x8A00  }
0x8: {  	s16 =	simm.s32 $0x9200;
	s17 =	simm.s32 $0xA200;
	s18 =	simm.s32 $0xB200  }
0x9: {  	s29 =	simm.s32 $0xC200;
	[smem:$0x7FF] =	sst s3;
	s4 =	sand.u32 $0x1, s4  }
0xa: {  	s5 =	sshll.u32 s9, $0x4;
	_ =	strace $0x8000004A;
	s6 =	ssub.s32 $0x2, s4  }
0xb: {  	s5 =	sand.u32 $0x70, s5;
	s4 =	sshll.u32 s4, $0x4;
	s7 =	sshrl.u32 s6, $0x1  }
0xc: {  	s8 =	sadd.s32 s5, s0;
	s4 =	sor.u32 s9, s4;
	s5 =	simm.s32 $0x4A00  }
0xd: {  	s9 =	simm.s32 $0xAA00;
	s6 =	ssub.s32 s6, s7;
	s20 =	sshll.u32 s4, $0x6  }
0xe: {  	s21 =	sshll.u32 s4, $0xE;
	s4 =	sshll.u32 s4, $0xA;
	s7 =	simm.s32 $0x7A00  }
0xf: {  	s0 =	sadd.s32 s0, s20;
	s22 =	sadd.s32 s2, s21;
	s23 =	sand.u32 $0x6000, s4  }
0x10: {  	s26 =	smax.u32 s6, $0x1;
	s21 =	simm.s32 $0x0;
	[dreg:$0x4] =	wrdreg s0  }
0x11: {  	s6 =	simm.s32 $0x6A00;
	s20 =	simm.s32 $0xCA00;
	[dreg:$0xa] =	wrdreg s22  }
0x12: {  	s4 =	simm.s32 $0x1;
	s2 =	sadd.s32 $0x1000, s22;
	[dreg:$0x9] =	wrdreg s26  }
0x13: {  	s24 =	sadd.s32 $0x2000, s22;
	s0 =	sadd.s32 s23, s8;
	[dreg:$0x5] =	wrdreg s2  }
0x14: {  	v0 =	vimm.s32 $0x0;
	v4 =	vlaneseq.u32;
	s25 =	sadd.s32 $0x3000, s22;
	s26 =	simm.s32 $0x2A00;
	[dreg:$0x6] =	wrdreg s24  }
0x15: {  	v1 =	vimm.s32 $0x1;
	vm0 =	vmmov $0xffff;
	v3 =	vshrl.u32 v4, $0x3;
	s8 =	simm.s32 $0x5A00;
	[dreg:$0x7] =	wrdreg s25;
	s0 =	sadd.s32 $0x1C00, s0  }
0x16: {  	v2 =	vand.u32 $0x7, v4;
	v4 =	vor.u32 $0x8, v4;
	v3 =	vmul.u32 $0x8, v3;
	s24 =	simm.s32 $0x1A00;
	s25 =	simm.s32 $0x2200;
	[dreg:$0x8] =	wrdreg s0  }
.LBB2_1:
0x17: {  	s22 =	rddreg [dreg:$0x4]  }
0x18: {  	[tilespmem:s3], [sflag:$0x3] =	stream.linear.gather [hbm4b:s22+s3], $0x200, $0x38;
	[tilespmem:$0x12200] =	vst v63  }
0x19: {  	_ =	swait.ge [sflag:s11], $0x200  }
0x1a: {  	[sflag:s11] =	ssyncset.done $0x0  }
0x1b: {  	s23 =	simm.s32 $0x0;
	s22 =	simm.s32 $0x40;
	[sflag:s11] =	ssyncadd.s32 $0xFFFFFE00  }
.LBB2_2:
0x1c: {  	p0 =	sne.s32 s22, $0x7FC0;
	[tilespmem:s23+$0x10200] =	vst v0;
	s23 =	smov.u32 s22;
	s22 =	sadd.s32 $0x40, s22  }
.Ltmp0:
0x1d: {  	(pc) =	sbr.rel @p0 .LBB2_2-.Ltmp0, $2  }
0x1e: {  	_ =	sdelay $0x2  }
0x1f: {  	s23 =	sshra.s32 s23, $0x2  }
0x20: {  	[tilespmem:s23+$0x10200] =	vst v0  }
0x21: {  	v5 =	vld [tilespmem:$0x0];
	_ =	sdelay $0x4  }
0x22: {  	v6 =	vshll.u32 v5, $0x1  }
0x23: {  	v5 =	vand.u32 $0x7, v5;
	v6 =	vand.u32 $0xFFFFFFF0, v6  }
0x24: {  	v5 =	vor.u32 v5, v6  }
0x25: {  	v6 =	vperm.xlane v5, v2;
	_ =	sdelay $0x1  }
0x26: {  	v5 =	vperm.xlane v5, v4;
	v6 =	vadd.s32 v3, v6;
	_ =	sdelay $0x1  }
0x27: {  	v5 =	vadd.s32 v3, v5;
	_ =	sdelay $0x1  }
0x28: {  	s0 =	simm.s32 $0x200  }
0x29: {  	[tilespmem:s0], [sflag:$0x1] =	stream.indirect_vreg.gather [hbm4b:s1+s3], $0x80, v6, vm0, $0xb8;
	[tilespmem:$0x12200] =	vst v63  }
0x2a: {  	s22 =	simm.s32 $0xA00  }
0x2b: {  	[tilespmem:s22], [sflag:$0x1] =	stream.indirect_vreg.gather [hbm4b:s1+s3], $0x80, v5, vm0, $0xb8;
	[tilespmem:$0x12200] =	vst v63  }
0x2c: {  	v5 =	vld [tilespmem:$0x10];
	_ =	sdelay $0x4  }
0x2d: {  	v6 =	vshll.u32 v5, $0x1  }
0x2e: {  	v5 =	vand.u32 $0x7, v5;
	v6 =	vand.u32 $0xFFFFFFF0, v6  }
0x2f: {  	v5 =	vor.u32 v5, v6  }
0x30: {  	v6 =	vperm.xlane v5, v2;
	_ =	sdelay $0x1  }
0x31: {  	v5 =	vperm.xlane v5, v4;
	v6 =	vadd.s32 v3, v6;
	_ =	sdelay $0x1  }
0x32: {  	v5 =	vadd.s32 v3, v5;
	_ =	sdelay $0x1  }
0x33: {  	s23 =	simm.s32 $0x1200  }
0x34: {  	[tilespmem:s23], [sflag:$0x1] =	stream.indirect_vreg.gather [hbm4b:s1+s3], $0x80, v6, vm0, $0xb8;
	[tilespmem:$0x12200] =	vst v63  }
0x35: {  	_ = 	snop  }
0x36: {  	[tilespmem:s24], [sflag:$0x1] =	stream.indirect_vreg.gather [hbm4b:s1+s3], $0x80, v5, vm0, $0xb8;
	[tilespmem:$0x12200] =	vst v63  }
0x37: {  	v5 =	vld [tilespmem:$0x20];
	_ =	sdelay $0x4  }
0x38: {  	v6 =	vshll.u32 v5, $0x1  }
0x39: {  	v5 =	vand.u32 $0x7, v5;
	v6 =	vand.u32 $0xFFFFFFF0, v6  }
0x3a: {  	v5 =	vor.u32 v5, v6  }
0x3b: {  	v6 =	vperm.xlane v5, v2;
	_ =	sdelay $0x1  }
0x3c: {  	v5 =	vperm.xlane v5, v4;
	v6 =	vadd.s32 v3, v6;
	_ =	sdelay $0x1  }
0x3d: {  	v5 =	vadd.s32 v3, v5;
	_ =	sdelay $0x2  }
0x3e: {  	[tilespmem:s25], [sflag:$0x1] =	stream.indirect_vreg.gather [hbm4b:s1+s3], $0x80, v6, vm0, $0xb8;
	[tilespmem:$0x12200] =	vst v63  }
0x3f: {  	_ = 	snop  }
0x40: {  	[tilespmem:s26], [sflag:$0x1] =	stream.indirect_vreg.gather [hbm4b:s1+s3], $0x80, v5, vm0, $0xb8;
	[tilespmem:$0x12200] =	vst v63  }
0x41: {  	v5 =	vld [tilespmem:$0x30];
	_ =	sdelay $0x4  }
0x42: {  	v6 =	vshll.u32 v5, $0x1  }
0x43: {  	v5 =	vand.u32 $0x7, v5;
	v6 =	vand.u32 $0xFFFFFFF0, v6  }
0x44: {  	v5 =	vor.u32 v5, v6  }
0x45: {  	v6 =	vperm.xlane v5, v2;
	_ =	sdelay $0x1  }
0x46: {  	v5 =	vperm.xlane v5, v4;
	v6 =	vadd.s32 v3, v6;
	_ =	sdelay $0x1  }
0x47: {  	v5 =	vadd.s32 v3, v5;
	_ =	sdelay $0x2  }
0x48: {  	[tilespmem:s28], [sflag:$0x1] =	stream.indirect_vreg.gather [hbm4b:s1+s3], $0x80, v6, vm0, $0xb8;
	[tilespmem:$0x12200] =	vst v63  }
0x49: {  	_ = 	snop  }
0x4a: {  	[tilespmem:s30], [sflag:$0x1] =	stream.indirect_vreg.gather [hbm4b:s1+s3], $0x80, v5, vm0, $0xb8;
	[tilespmem:$0x12200] =	vst v63  }
0x4b: {  	v5 =	vld [tilespmem:$0x40];
	_ =	sdelay $0x4  }
0x4c: {  	v6 =	vshll.u32 v5, $0x1  }
0x4d: {  	v5 =	vand.u32 $0x7, v5;
	v6 =	vand.u32 $0xFFFFFFF0, v6  }
0x4e: {  	v5 =	vor.u32 v5, v6  }
0x4f: {  	v6 =	vperm.xlane v5, v2;
	_ =	sdelay $0x1  }
0x50: {  	v5 =	vperm.xlane v5, v4;
	v6 =	vadd.s32 v3, v6;
	_ =	sdelay $0x1  }
0x51: {  	v5 =	vadd.s32 v3, v5;
	_ =	sdelay $0x2  }
0x52: {  	[tilespmem:s31], [sflag:$0x1] =	stream.indirect_vreg.gather [hbm4b:s1+s3], $0x80, v6, vm0, $0xb8;
	[tilespmem:$0x12200] =	vst v63  }
0x53: {  	_ = 	snop  }
0x54: {  	[tilespmem:s5], [sflag:$0x1] =	stream.indirect_vreg.gather [hbm4b:s1+s3], $0x80, v5, vm0, $0xb8;
	[tilespmem:$0x12200] =	vst v63  }
0x55: {  	v5 =	vld [tilespmem:$0x50];
	_ =	sdelay $0x4  }
0x56: {  	v6 =	vshll.u32 v5, $0x1  }
0x57: {  	v5 =	vand.u32 $0x7, v5;
	v6 =	vand.u32 $0xFFFFFFF0, v6  }
0x58: {  	v5 =	vor.u32 v5, v6  }
0x59: {  	v6 =	vperm.xlane v5, v2;
	_ =	sdelay $0x1  }
0x5a: {  	v5 =	vperm.xlane v5, v4;
	v6 =	vadd.s32 v3, v6;
	_ =	sdelay $0x1  }
0x5b: {  	v5 =	vadd.s32 v3, v5;
	_ =	sdelay $0x1  }
0x5c: {  	s2 =	simm.s32 $0x5200  }
0x5d: {  	[tilespmem:s2], [sflag:$0x1] =	stream.indirect_vreg.gather [hbm4b:s1+s3], $0x80, v6, vm0, $0xb8;
	[tilespmem:$0x12200] =	vst v63  }
0x5e: {  	_ = 	snop  }
0x5f: {  	[tilespmem:s8], [sflag:$0x1] =	stream.indirect_vreg.gather [hbm4b:s1+s3], $0x80, v5, vm0, $0xb8;
	[tilespmem:$0x12200] =	vst v63  }
0x60: {  	v5 =	vld [tilespmem:$0x60];
	_ =	sdelay $0x4  }
0x61: {  	v6 =	vshll.u32 v5, $0x1  }
0x62: {  	v5 =	vand.u32 $0x7, v5;
	v6 =	vand.u32 $0xFFFFFFF0, v6  }
0x63: {  	v5 =	vor.u32 v5, v6  }
0x64: {  	v6 =	vperm.xlane v5, v2;
	_ =	sdelay $0x1  }
0x65: {  	v5 =	vperm.xlane v5, v4;
	v6 =	vadd.s32 v3, v6;
	_ =	sdelay $0x1  }
0x66: {  	v5 =	vadd.s32 v3, v5;
	_ =	sdelay $0x2  }
0x67: {  	[tilespmem:s13], [sflag:$0x1] =	stream.indirect_vreg.gather [hbm4b:s1+s3], $0x80, v6, vm0, $0xb8;
	[tilespmem:$0x12200] =	vst v63  }
0x68: {  	_ = 	snop  }
0x69: {  	[tilespmem:s6], [sflag:$0x1] =	stream.indirect_vreg.gather [hbm4b:s1+s3], $0x80, v5, vm0, $0xb8;
	[tilespmem:$0x12200] =	vst v63  }
0x6a: {  	v5 =	vld [tilespmem:$0x70];
	_ =	sdelay $0x4  }
0x6b: {  	v6 =	vshll.u32 v5, $0x1  }
0x6c: {  	v5 =	vand.u32 $0x7, v5;
	v6 =	vand.u32 $0xFFFFFFF0, v6  }
0x6d: {  	v5 =	vor.u32 v5, v6  }
0x6e: {  	v6 =	vperm.xlane v5, v2;
	_ =	sdelay $0x1  }
0x6f: {  	v5 =	vperm.xlane v5, v4;
	v6 =	vadd.s32 v3, v6;
	_ =	sdelay $0x1  }
0x70: {  	v5 =	vadd.s32 v3, v5;
	_ =	sdelay $0x2  }
0x71: {  	[tilespmem:s14], [sflag:$0x1] =	stream.indirect_vreg.gather [hbm4b:s1+s3], $0x80, v6, vm0, $0xb8;
	[tilespmem:$0x12200] =	vst v63  }
0x72: {  	_ = 	snop  }
0x73: {  	[tilespmem:s7], [sflag:$0x1] =	stream.indirect_vreg.gather [hbm4b:s1+s3], $0x80, v5, vm0, $0xb8;
	[tilespmem:$0x12200] =	vst v63  }
0x74: {  	v5 =	vld [tilespmem:$0x80];
	_ =	sdelay $0x4  }
0x75: {  	v6 =	vshll.u32 v5, $0x1  }
0x76: {  	v5 =	vand.u32 $0x7, v5;
	v6 =	vand.u32 $0xFFFFFFF0, v6  }
0x77: {  	v5 =	vor.u32 v5, v6  }
0x78: {  	v6 =	vperm.xlane v5, v2;
	_ =	sdelay $0x1  }
0x79: {  	v5 =	vperm.xlane v5, v4;
	v6 =	vadd.s32 v3, v6;
	_ =	sdelay $0x1  }
0x7a: {  	v5 =	vadd.s32 v3, v5;
	_ =	sdelay $0x2  }
0x7b: {  	[tilespmem:s19], [sflag:$0x2] =	stream.indirect_vreg.gather [hbm4b:s1+s3], $0x80, v6, vm0, $0xb8;
	[tilespmem:$0x12200] =	vst v63  }
0x7c: {  	_ = 	snop  }
0x7d: {  	[tilespmem:s15], [sflag:$0x2] =	stream.indirect_vreg.gather [hbm4b:s1+s3], $0x80, v5, vm0, $0xb8;
	[tilespmem:$0x12200] =	vst v63  }
0x7e: {  	v5 =	vld [tilespmem:$0x90];
	_ =	sdelay $0x4  }
0x7f: {  	v6 =	vshll.u32 v5, $0x1  }
0x80: {  	v5 =	vand.u32 $0x7, v5;
	v6 =	vand.u32 $0xFFFFFFF0, v6  }
0x81: {  	v5 =	vor.u32 v5, v6  }
0x82: {  	v6 =	vperm.xlane v5, v2;
	_ =	sdelay $0x1  }
0x83: {  	v5 =	vperm.xlane v5, v4;
	v6 =	vadd.s32 v3, v6;
	_ =	sdelay $0x1  }
0x84: {  	v5 =	vadd.s32 v3, v5;
	_ =	sdelay $0x2  }
0x85: {  	[tilespmem:s16], [sflag:$0x2] =	stream.indirect_vreg.gather [hbm4b:s1+s3], $0x80, v6, vm0, $0xb8;
	[tilespmem:$0x12200] =	vst v63  }
0x86: {  	s12 =	simm.s32 $0x9A00  }
0x87: {  	[tilespmem:s12], [sflag:$0x2] =	stream.indirect_vreg.gather [hbm4b:s1+s3], $0x80, v5, vm0, $0xb8;
	[tilespmem:$0x12200] =	vst v63  }
0x88: {  	v5 =	vld [tilespmem:$0xA0];
	_ =	sdelay $0x4  }
0x89: {  	v6 =	vshll.u32 v5, $0x1  }
0x8a: {  	v5 =	vand.u32 $0x7, v5;
	v6 =	vand.u32 $0xFFFFFFF0, v6  }
0x8b: {  	v5 =	vor.u32 v5, v6  }
0x8c: {  	v6 =	vperm.xlane v5, v2;
	_ =	sdelay $0x1  }
0x8d: {  	v5 =	vperm.xlane v5, v4;
	v6 =	vadd.s32 v3, v6;
	_ =	sdelay $0x1  }
0x8e: {  	v5 =	vadd.s32 v3, v5;
	_ =	sdelay $0x2  }
0x8f: {  	[tilespmem:s17], [sflag:$0x2] =	stream.indirect_vreg.gather [hbm4b:s1+s3], $0x80, v6, vm0, $0xb8;
	[tilespmem:$0x12200] =	vst v63  }
0x90: {  	_ = 	snop  }
0x91: {  	[tilespmem:s9], [sflag:$0x2] =	stream.indirect_vreg.gather [hbm4b:s1+s3], $0x80, v5, vm0, $0xb8;
	[tilespmem:$0x12200] =	vst v63  }
0x92: {  	v5 =	vld [tilespmem:$0xB0];
	_ =	sdelay $0x4  }
0x93: {  	v6 =	vshll.u32 v5, $0x1  }
0x94: {  	v5 =	vand.u32 $0x7, v5;
	v6 =	vand.u32 $0xFFFFFFF0, v6  }
0x95: {  	v5 =	vor.u32 v5, v6  }
0x96: {  	v6 =	vperm.xlane v5, v2;
	_ =	sdelay $0x1  }
0x97: {  	v5 =	vperm.xlane v5, v4;
	v6 =	vadd.s32 v3, v6;
	_ =	sdelay $0x1  }
0x98: {  	v5 =	vadd.s32 v3, v5;
	_ =	sdelay $0x2  }
0x99: {  	[tilespmem:s18], [sflag:$0x2] =	stream.indirect_vreg.gather [hbm4b:s1+s3], $0x80, v6, vm0, $0xb8;
	[tilespmem:$0x12200] =	vst v63  }
0x9a: {  	s12 =	simm.s32 $0xBA00  }
0x9b: {  	[tilespmem:s12], [sflag:$0x2] =	stream.indirect_vreg.gather [hbm4b:s1+s3], $0x80, v5, vm0, $0xb8;
	[tilespmem:$0x12200] =	vst v63  }
0x9c: {  	v5 =	vld [tilespmem:$0xC0];
	_ =	sdelay $0x4  }
0x9d: {  	v6 =	vshll.u32 v5, $0x1  }
0x9e: {  	v5 =	vand.u32 $0x7, v5;
	v6 =	vand.u32 $0xFFFFFFF0, v6  }
0x9f: {  	v5 =	vor.u32 v5, v6  }
0xa0: {  	v6 =	vperm.xlane v5, v2;
	_ =	sdelay $0x1  }
0xa1: {  	v5 =	vperm.xlane v5, v4;
	v6 =	vadd.s32 v3, v6;
	_ =	sdelay $0x1  }
0xa2: {  	v5 =	vadd.s32 v3, v5;
	_ =	sdelay $0x2  }
0xa3: {  	[tilespmem:s29], [sflag:$0x2] =	stream.indirect_vreg.gather [hbm4b:s1+s3], $0x80, v6, vm0, $0xb8;
	[tilespmem:$0x12200] =	vst v63  }
0xa4: {  	_ = 	snop  }
0xa5: {  	[tilespmem:s20], [sflag:$0x2] =	stream.indirect_vreg.gather [hbm4b:s1+s3], $0x80, v5, vm0, $0xb8;
	[tilespmem:$0x12200] =	vst v63  }
0xa6: {  	v5 =	vld [tilespmem:$0xD0];
	_ =	sdelay $0x4  }
0xa7: {  	v6 =	vshll.u32 v5, $0x1  }
0xa8: {  	v5 =	vand.u32 $0x7, v5;
	v6 =	vand.u32 $0xFFFFFFF0, v6  }
0xa9: {  	v5 =	vor.u32 v5, v6  }
0xaa: {  	v6 =	vperm.xlane v5, v2;
	_ =	sdelay $0x1  }
0xab: {  	v5 =	vperm.xlane v5, v4;
	v6 =	vadd.s32 v3, v6;
	_ =	sdelay $0x1  }
0xac: {  	v5 =	vadd.s32 v3, v5;
	_ =	sdelay $0x1  }
0xad: {  	s12 =	simm.s32 $0xD200  }
0xae: {  	[tilespmem:s12], [sflag:$0x2] =	stream.indirect_vreg.gather [hbm4b:s1+s3], $0x80, v6, vm0, $0xb8;
	[tilespmem:$0x12200] =	vst v63  }
0xaf: {  	s12 =	simm.s32 $0xDA00  }
0xb0: {  	[tilespmem:s12], [sflag:$0x2] =	stream.indirect_vreg.gather [hbm4b:s1+s3], $0x80, v5, vm0, $0xb8;
	[tilespmem:$0x12200] =	vst v63  }
0xb1: {  	v5 =	vld [tilespmem:$0xE0];
	_ =	sdelay $0x4  }
0xb2: {  	v6 =	vshll.u32 v5, $0x1  }
0xb3: {  	v5 =	vand.u32 $0x7, v5;
	v6 =	vand.u32 $0xFFFFFFF0, v6  }
0xb4: {  	v5 =	vor.u32 v5, v6  }
0xb5: {  	v6 =	vperm.xlane v5, v2;
	_ =	sdelay $0x1  }
0xb6: {  	v5 =	vperm.xlane v5, v4;
	v6 =	vadd.s32 v3, v6;
	_ =	sdelay $0x1  }
0xb7: {  	v5 =	vadd.s32 v3, v5;
	_ =	sdelay $0x1  }
0xb8: {  	s12 =	simm.s32 $0xE200  }
0xb9: {  	[tilespmem:s12], [sflag:$0x2] =	stream.indirect_vreg.gather [hbm4b:s1+s3], $0x80, v6, vm0, $0xb8;
	[tilespmem:$0x12200] =	vst v63  }
0xba: {  	s12 =	simm.s32 $0xEA00  }
0xbb: {  	[tilespmem:s12], [sflag:$0x2] =	stream.indirect_vreg.gather [hbm4b:s1+s3], $0x80, v5, vm0, $0xb8;
	[tilespmem:$0x12200] =	vst v63  }
0xbc: {  	v5 =	vld [tilespmem:$0xF0];
	_ =	sdelay $0x4  }
0xbd: {  	v6 =	vshll.u32 v5, $0x1  }
0xbe: {  	v5 =	vand.u32 $0x7, v5;
	v6 =	vand.u32 $0xFFFFFFF0, v6  }
0xbf: {  	v5 =	vor.u32 v5, v6  }
0xc0: {  	v6 =	vperm.xlane v5, v2;
	_ =	sdelay $0x1  }
0xc1: {  	v5 =	vperm.xlane v5, v4;
	v6 =	vadd.s32 v3, v6;
	_ =	sdelay $0x1  }
0xc2: {  	v5 =	vadd.s32 v3, v5;
	_ =	sdelay $0x1  }
0xc3: {  	s12 =	simm.s32 $0xF200  }
0xc4: {  	[tilespmem:s12], [sflag:$0x2] =	stream.indirect_vreg.gather [hbm4b:s1+s3], $0x80, v6, vm0, $0xb8;
	[tilespmem:$0x12200] =	vst v63  }
0xc5: {  	s12 =	simm.s32 $0xFA00  }
0xc6: {  	[tilespmem:s12], [sflag:$0x2] =	stream.indirect_vreg.gather [hbm4b:s1+s3], $0x80, v5, vm0, $0xb8;
	[tilespmem:$0x12200] =	vst v63  }
0xc7: {  	v5 =	vld [tilespmem:$0x0];
	_ =	sdelay $0x7  }
0xc8: {  	[tilespmem:v5+s10+$0x0] =	vst.idx.add.s32.msk $0xffff, v1  }
0xc9: {  	v5 =	vld [tilespmem:$0x10];
	_ =	sdelay $0x7  }
0xca: {  	[tilespmem:v5+s10+$0x0] =	vst.idx.add.s32.msk $0xffff, v1  }
0xcb: {  	v5 =	vld [tilespmem:$0x20];
	_ =	sdelay $0x7  }
0xcc: {  	[tilespmem:v5+s10+$0x0] =	vst.idx.add.s32.msk $0xffff, v1  }
0xcd: {  	v5 =	vld [tilespmem:$0x30];
	_ =	sdelay $0x7  }
0xce: {  	[tilespmem:v5+s10+$0x0] =	vst.idx.add.s32.msk $0xffff, v1  }
0xcf: {  	v5 =	vld [tilespmem:$0x40];
	_ =	sdelay $0x7  }
0xd0: {  	[tilespmem:v5+s10+$0x0] =	vst.idx.add.s32.msk $0xffff, v1  }
0xd1: {  	v5 =	vld [tilespmem:$0x50];
	_ =	sdelay $0x7  }
0xd2: {  	[tilespmem:v5+s10+$0x0] =	vst.idx.add.s32.msk $0xffff, v1  }
0xd3: {  	v5 =	vld [tilespmem:$0x60];
	_ =	sdelay $0x7  }
0xd4: {  	[tilespmem:v5+s10+$0x0] =	vst.idx.add.s32.msk $0xffff, v1  }
0xd5: {  	v5 =	vld [tilespmem:$0x70];
	_ =	sdelay $0x7  }
0xd6: {  	[tilespmem:v5+s10+$0x0] =	vst.idx.add.s32.msk $0xffff, v1  }
0xd7: {  	_ =	swait.ge [sflag:s4], $0x8000  }
0xd8: {  	[sflag:s4] =	ssyncset.done $0x0  }
0xd9: {  	s0 =	simm.s32 $0x200;
	s12 =	rddreg [dreg:$0xa];
	[sflag:s4] =	ssyncadd.s32 $0xFFFF8000  }
0xda: {  	[hbm4b:s12+s3] =	stream.linear.scatter [tilespmem:s0], [sflag:$0x3], $0x8000, $0x38;
	[tilespmem:$0x12200] =	vst v63  }
0xdb: {  	_ =	swait.ge [sflag:s11], $0x8000  }
0xdc: {  	[sflag:s11] =	ssyncset.done $0x0  }
0xdd: {  	[sflag:s11] =	ssyncadd.s32 $0xFFFF8000  }
0xde: {  	v5 =	vld [tilespmem:$0x100];
	_ =	sdelay $0x4  }
0xdf: {  	v6 =	vshll.u32 v5, $0x1  }
0xe0: {  	v5 =	vand.u32 $0x7, v5;
	v6 =	vand.u32 $0xFFFFFFF0, v6  }
0xe1: {  	v5 =	vor.u32 v5, v6  }
0xe2: {  	v6 =	vperm.xlane v5, v2;
	_ =	sdelay $0x1  }
0xe3: {  	v5 =	vperm.xlane v5, v4;
	v6 =	vadd.s32 v3, v6;
	_ =	sdelay $0x1  }
0xe4: {  	v5 =	vadd.s32 v3, v5;
	_ =	sdelay $0x2  }
0xe5: {  	[tilespmem:s0], [sflag:$0x1] =	stream.indirect_vreg.gather [hbm4b:s1+s3], $0x80, v6, vm0, $0xb8;
	[tilespmem:$0x12200] =	vst v63  }
0xe6: {  	_ = 	snop  }
0xe7: {  	[tilespmem:s22], [sflag:$0x1] =	stream.indirect_vreg.gather [hbm4b:s1+s3], $0x80, v5, vm0, $0xb8;
	[tilespmem:$0x12200] =	vst v63  }
0xe8: {  	v5 =	vld [tilespmem:$0x110];
	_ =	sdelay $0x4  }
0xe9: {  	v6 =	vshll.u32 v5, $0x1  }
0xea: {  	v5 =	vand.u32 $0x7, v5;
	v6 =	vand.u32 $0xFFFFFFF0, v6  }
0xeb: {  	v5 =	vor.u32 v5, v6  }
0xec: {  	v6 =	vperm.xlane v5, v2;
	_ =	sdelay $0x1  }
0xed: {  	v5 =	vperm.xlane v5, v4;
	v6 =	vadd.s32 v3, v6;
	_ =	sdelay $0x1  }
0xee: {  	v5 =	vadd.s32 v3, v5;
	_ =	sdelay $0x2  }
0xef: {  	[tilespmem:s23], [sflag:$0x1] =	stream.indirect_vreg.gather [hbm4b:s1+s3], $0x80, v6, vm0, $0xb8;
	[tilespmem:$0x12200] =	vst v63  }
0xf0: {  	_ = 	snop  }
0xf1: {  	[tilespmem:s24], [sflag:$0x1] =	stream.indirect_vreg.gather [hbm4b:s1+s3], $0x80, v5, vm0, $0xb8;
	[tilespmem:$0x12200] =	vst v63  }
0xf2: {  	v5 =	vld [tilespmem:$0x120];
	_ =	sdelay $0x4  }
0xf3: {  	v6 =	vshll.u32 v5, $0x1  }
0xf4: {  	v5 =	vand.u32 $0x7, v5;
	v6 =	vand.u32 $0xFFFFFFF0, v6  }
0xf5: {  	v5 =	vor.u32 v5, v6  }
0xf6: {  	v6 =	vperm.xlane v5, v2;
	_ =	sdelay $0x1  }
0xf7: {  	v5 =	vperm.xlane v5, v4;
	v6 =	vadd.s32 v3, v6;
	_ =	sdelay $0x1  }
0xf8: {  	v5 =	vadd.s32 v3, v5;
	_ =	sdelay $0x2  }
0xf9: {  	[tilespmem:s25], [sflag:$0x1] =	stream.indirect_vreg.gather [hbm4b:s1+s3], $0x80, v6, vm0, $0xb8;
	[tilespmem:$0x12200] =	vst v63  }
0xfa: {  	_ = 	snop  }
0xfb: {  	[tilespmem:s26], [sflag:$0x1] =	stream.indirect_vreg.gather [hbm4b:s1+s3], $0x80, v5, vm0, $0xb8;
	[tilespmem:$0x12200] =	vst v63  }
0xfc: {  	v5 =	vld [tilespmem:$0x130];
	_ =	sdelay $0x4  }
0xfd: {  	v6 =	vshll.u32 v5, $0x1  }
0xfe: {  	v5 =	vand.u32 $0x7, v5;
	v6 =	vand.u32 $0xFFFFFFF0, v6  }
0xff: {  	v5 =	vor.u32 v5, v6  }
0x100: {  	v6 =	vperm.xlane v5, v2;
	_ =	sdelay $0x1  }
0x101: {  	v5 =	vperm.xlane v5, v4;
	v6 =	vadd.s32 v3, v6;
	_ =	sdelay $0x1  }
0x102: {  	v5 =	vadd.s32 v3, v5;
	_ =	sdelay $0x2  }
0x103: {  	[tilespmem:s28], [sflag:$0x1] =	stream.indirect_vreg.gather [hbm4b:s1+s3], $0x80, v6, vm0, $0xb8;
	[tilespmem:$0x12200] =	vst v63  }
0x104: {  	_ = 	snop  }
0x105: {  	[tilespmem:s30], [sflag:$0x1] =	stream.indirect_vreg.gather [hbm4b:s1+s3], $0x80, v5, vm0, $0xb8;
	[tilespmem:$0x12200] =	vst v63  }
0x106: {  	v5 =	vld [tilespmem:$0x140];
	_ =	sdelay $0x4  }
0x107: {  	v6 =	vshll.u32 v5, $0x1  }
0x108: {  	v5 =	vand.u32 $0x7, v5;
	v6 =	vand.u32 $0xFFFFFFF0, v6  }
0x109: {  	v5 =	vor.u32 v5, v6  }
0x10a: {  	v6 =	vperm.xlane v5, v2;
	_ =	sdelay $0x1  }
0x10b: {  	v5 =	vperm.xlane v5, v4;
	v6 =	vadd.s32 v3, v6;
	_ =	sdelay $0x1  }
0x10c: {  	v5 =	vadd.s32 v3, v5;
	_ =	sdelay $0x2  }
0x10d: {  	[tilespmem:s31], [sflag:$0x1] =	stream.indirect_vreg.gather [hbm4b:s1+s3], $0x80, v6, vm0, $0xb8;
	[tilespmem:$0x12200] =	vst v63  }
0x10e: {  	_ = 	snop  }
0x10f: {  	[tilespmem:s5], [sflag:$0x1] =	stream.indirect_vreg.gather [hbm4b:s1+s3], $0x80, v5, vm0, $0xb8;
	[tilespmem:$0x12200] =	vst v63  }
0x110: {  	v5 =	vld [tilespmem:$0x150];
	_ =	sdelay $0x4  }
0x111: {  	v6 =	vshll.u32 v5, $0x1  }
0x112: {  	v5 =	vand.u32 $0x7, v5;
	v6 =	vand.u32 $0xFFFFFFF0, v6  }
0x113: {  	v5 =	vor.u32 v5, v6  }
0x114: {  	v6 =	vperm.xlane v5, v2;
	_ =	sdelay $0x1  }
0x115: {  	v5 =	vperm.xlane v5, v4;
	v6 =	vadd.s32 v3, v6;
	_ =	sdelay $0x1  }
0x116: {  	v5 =	vadd.s32 v3, v5;
	_ =	sdelay $0x2  }
0x117: {  	[tilespmem:s2], [sflag:$0x1] =	stream.indirect_vreg.gather [hbm4b:s1+s3], $0x80, v6, vm0, $0xb8;
	[tilespmem:$0x12200] =	vst v63  }
0x118: {  	_ = 	snop  }
0x119: {  	[tilespmem:s8], [sflag:$0x1] =	stream.indirect_vreg.gather [hbm4b:s1+s3], $0x80, v5, vm0, $0xb8;
	[tilespmem:$0x12200] =	vst v63  }
0x11a: {  	v5 =	vld [tilespmem:$0x160];
	_ =	sdelay $0x4  }
0x11b: {  	v6 =	vshll.u32 v5, $0x1  }
0x11c: {  	v5 =	vand.u32 $0x7, v5;
	v6 =	vand.u32 $0xFFFFFFF0, v6  }
0x11d: {  	v5 =	vor.u32 v5, v6  }
0x11e: {  	v6 =	vperm.xlane v5, v2;
	_ =	sdelay $0x1  }
0x11f: {  	v5 =	vperm.xlane v5, v4;
	v6 =	vadd.s32 v3, v6;
	_ =	sdelay $0x1  }
0x120: {  	v5 =	vadd.s32 v3, v5;
	_ =	sdelay $0x2  }
0x121: {  	[tilespmem:s13], [sflag:$0x1] =	stream.indirect_vreg.gather [hbm4b:s1+s3], $0x80, v6, vm0, $0xb8;
	[tilespmem:$0x12200] =	vst v63  }
0x122: {  	_ = 	snop  }
0x123: {  	[tilespmem:s6], [sflag:$0x1] =	stream.indirect_vreg.gather [hbm4b:s1+s3], $0x80, v5, vm0, $0xb8;
	[tilespmem:$0x12200] =	vst v63  }
0x124: {  	v5 =	vld [tilespmem:$0x170];
	_ =	sdelay $0x4  }
0x125: {  	v6 =	vshll.u32 v5, $0x1  }
0x126: {  	v5 =	vand.u32 $0x7, v5;
	v6 =	vand.u32 $0xFFFFFFF0, v6  }
0x127: {  	v5 =	vor.u32 v5, v6  }
0x128: {  	v6 =	vperm.xlane v5, v2;
	_ =	sdelay $0x1  }
0x129: {  	v5 =	vperm.xlane v5, v4;
	v6 =	vadd.s32 v3, v6;
	_ =	sdelay $0x1  }
0x12a: {  	v5 =	vadd.s32 v3, v5;
	_ =	sdelay $0x2  }
0x12b: {  	[tilespmem:s14], [sflag:$0x1] =	stream.indirect_vreg.gather [hbm4b:s1+s3], $0x80, v6, vm0, $0xb8;
	[tilespmem:$0x12200] =	vst v63  }
0x12c: {  	_ = 	snop  }
0x12d: {  	[tilespmem:s7], [sflag:$0x1] =	stream.indirect_vreg.gather [hbm4b:s1+s3], $0x80, v5, vm0, $0xb8;
	[tilespmem:$0x12200] =	vst v63  }
0x12e: {  	v5 =	vld [tilespmem:$0x80];
	_ =	sdelay $0x7  }
0x12f: {  	[tilespmem:v5+s10+$0x0] =	vst.idx.add.s32.msk $0xffff, v1  }
0x130: {  	v5 =	vld [tilespmem:$0x90];
	_ =	sdelay $0x7  }
0x131: {  	[tilespmem:v5+s10+$0x0] =	vst.idx.add.s32.msk $0xffff, v1  }
0x132: {  	v5 =	vld [tilespmem:$0xA0];
	_ =	sdelay $0x7  }
0x133: {  	[tilespmem:v5+s10+$0x0] =	vst.idx.add.s32.msk $0xffff, v1  }
0x134: {  	v5 =	vld [tilespmem:$0xB0];
	_ =	sdelay $0x7  }
0x135: {  	[tilespmem:v5+s10+$0x0] =	vst.idx.add.s32.msk $0xffff, v1  }
0x136: {  	v5 =	vld [tilespmem:$0xC0];
	_ =	sdelay $0x7  }
0x137: {  	[tilespmem:v5+s10+$0x0] =	vst.idx.add.s32.msk $0xffff, v1  }
0x138: {  	v5 =	vld [tilespmem:$0xD0];
	_ =	sdelay $0x7  }
0x139: {  	[tilespmem:v5+s10+$0x0] =	vst.idx.add.s32.msk $0xffff, v1  }
0x13a: {  	v5 =	vld [tilespmem:$0xE0];
	_ =	sdelay $0x7  }
0x13b: {  	[tilespmem:v5+s10+$0x0] =	vst.idx.add.s32.msk $0xffff, v1  }
0x13c: {  	v5 =	vld [tilespmem:$0xF0];
	_ =	sdelay $0x7  }
0x13d: {  	s2 =	simm.s32 $0x2;
	[tilespmem:v5+s10+$0x0] =	vst.idx.add.s32.msk $0xffff, v1  }
0x13e: {  	_ =	swait.ge [sflag:s2], $0x8000  }
0x13f: {  	[sflag:s2] =	ssyncset.done $0x0  }
0x140: {  	s0 =	rddreg [dreg:$0x5];
	[sflag:s2] =	ssyncadd.s32 $0xFFFF8000  }
0x141: {  	[hbm4b:s0+s3] =	stream.linear.scatter [tilespmem:s19], [sflag:$0x3], $0x8000, $0x38;
	[tilespmem:$0x12200] =	vst v63  }
0x142: {  	_ =	swait.ge [sflag:s11], $0x8000  }
0x143: {  	[sflag:s11] =	ssyncset.done $0x0  }
0x144: {  	[sflag:s11] =	ssyncadd.s32 $0xFFFF8000  }
0x145: {  	v5 =	vld [tilespmem:$0x180];
	_ =	sdelay $0x4  }
0x146: {  	v6 =	vshll.u32 v5, $0x1  }
0x147: {  	v5 =	vand.u32 $0x7, v5;
	v6 =	vand.u32 $0xFFFFFFF0, v6  }
0x148: {  	v5 =	vor.u32 v5, v6  }
0x149: {  	v6 =	vperm.xlane v5, v2;
	_ =	sdelay $0x1  }
0x14a: {  	v5 =	vperm.xlane v5, v4;
	v6 =	vadd.s32 v3, v6;
	_ =	sdelay $0x1  }
0x14b: {  	v5 =	vadd.s32 v3, v5;
	_ =	sdelay $0x2  }
0x14c: {  	[tilespmem:s19], [sflag:$0x2] =	stream.indirect_vreg.gather [hbm4b:s1+s3], $0x80, v6, vm0, $0xb8;
	[tilespmem:$0x12200] =	vst v63  }
0x14d: {  	_ = 	snop  }
0x14e: {  	[tilespmem:s15], [sflag:$0x2] =	stream.indirect_vreg.gather [hbm4b:s1+s3], $0x80, v5, vm0, $0xb8;
	[tilespmem:$0x12200] =	vst v63  }
0x14f: {  	v5 =	vld [tilespmem:$0x190];
	_ =	sdelay $0x4  }
0x150: {  	v6 =	vshll.u32 v5, $0x1  }
0x151: {  	v5 =	vand.u32 $0x7, v5;
	v6 =	vand.u32 $0xFFFFFFF0, v6  }
0x152: {  	v5 =	vor.u32 v5, v6  }
0x153: {  	v6 =	vperm.xlane v5, v2;
	_ =	sdelay $0x1  }
0x154: {  	v5 =	vperm.xlane v5, v4;
	v6 =	vadd.s32 v3, v6;
	_ =	sdelay $0x1  }
0x155: {  	v5 =	vadd.s32 v3, v5;
	_ =	sdelay $0x2  }
0x156: {  	[tilespmem:s16], [sflag:$0x2] =	stream.indirect_vreg.gather [hbm4b:s1+s3], $0x80, v6, vm0, $0xb8;
	[tilespmem:$0x12200] =	vst v63  }
0x157: {  	s22 =	simm.s32 $0x9A00  }
0x158: {  	[tilespmem:s22], [sflag:$0x2] =	stream.indirect_vreg.gather [hbm4b:s1+s3], $0x80, v5, vm0, $0xb8;
	[tilespmem:$0x12200] =	vst v63  }
0x159: {  	v5 =	vld [tilespmem:$0x1A0];
	_ =	sdelay $0x4  }
0x15a: {  	v6 =	vshll.u32 v5, $0x1  }
0x15b: {  	v5 =	vand.u32 $0x7, v5;
	v6 =	vand.u32 $0xFFFFFFF0, v6  }
0x15c: {  	v5 =	vor.u32 v5, v6  }
0x15d: {  	v6 =	vperm.xlane v5, v2;
	_ =	sdelay $0x1  }
0x15e: {  	v5 =	vperm.xlane v5, v4;
	v6 =	vadd.s32 v3, v6;
	_ =	sdelay $0x1  }
0x15f: {  	v5 =	vadd.s32 v3, v5;
	_ =	sdelay $0x2  }
0x160: {  	[tilespmem:s17], [sflag:$0x2] =	stream.indirect_vreg.gather [hbm4b:s1+s3], $0x80, v6, vm0, $0xb8;
	[tilespmem:$0x12200] =	vst v63  }
0x161: {  	_ = 	snop  }
0x162: {  	[tilespmem:s9], [sflag:$0x2] =	stream.indirect_vreg.gather [hbm4b:s1+s3], $0x80, v5, vm0, $0xb8;
	[tilespmem:$0x12200] =	vst v63  }
0x163: {  	v5 =	vld [tilespmem:$0x1B0];
	_ =	sdelay $0x4  }
0x164: {  	v6 =	vshll.u32 v5, $0x1  }
0x165: {  	v5 =	vand.u32 $0x7, v5;
	v6 =	vand.u32 $0xFFFFFFF0, v6  }
0x166: {  	v5 =	vor.u32 v5, v6  }
0x167: {  	v6 =	vperm.xlane v5, v2;
	_ =	sdelay $0x1  }
0x168: {  	v5 =	vperm.xlane v5, v4;
	v6 =	vadd.s32 v3, v6;
	_ =	sdelay $0x1  }
0x169: {  	v5 =	vadd.s32 v3, v5;
	_ =	sdelay $0x2  }
0x16a: {  	[tilespmem:s18], [sflag:$0x2] =	stream.indirect_vreg.gather [hbm4b:s1+s3], $0x80, v6, vm0, $0xb8;
	[tilespmem:$0x12200] =	vst v63  }
0x16b: {  	s23 =	simm.s32 $0xBA00  }
0x16c: {  	[tilespmem:s23], [sflag:$0x2] =	stream.indirect_vreg.gather [hbm4b:s1+s3], $0x80, v5, vm0, $0xb8;
	[tilespmem:$0x12200] =	vst v63  }
0x16d: {  	v5 =	vld [tilespmem:$0x1C0];
	_ =	sdelay $0x4  }
0x16e: {  	v6 =	vshll.u32 v5, $0x1  }
0x16f: {  	v5 =	vand.u32 $0x7, v5;
	v6 =	vand.u32 $0xFFFFFFF0, v6  }
0x170: {  	v5 =	vor.u32 v5, v6  }
0x171: {  	v6 =	vperm.xlane v5, v2;
	_ =	sdelay $0x1  }
0x172: {  	v5 =	vperm.xlane v5, v4;
	v6 =	vadd.s32 v3, v6;
	_ =	sdelay $0x1  }
0x173: {  	v5 =	vadd.s32 v3, v5;
	_ =	sdelay $0x2  }
0x174: {  	[tilespmem:s29], [sflag:$0x2] =	stream.indirect_vreg.gather [hbm4b:s1+s3], $0x80, v6, vm0, $0xb8;
	[tilespmem:$0x12200] =	vst v63  }
0x175: {  	_ = 	snop  }
0x176: {  	[tilespmem:s20], [sflag:$0x2] =	stream.indirect_vreg.gather [hbm4b:s1+s3], $0x80, v5, vm0, $0xb8;
	[tilespmem:$0x12200] =	vst v63  }
0x177: {  	v5 =	vld [tilespmem:$0x1D0];
	_ =	sdelay $0x4  }
0x178: {  	v6 =	vshll.u32 v5, $0x1  }
0x179: {  	v5 =	vand.u32 $0x7, v5;
	v6 =	vand.u32 $0xFFFFFFF0, v6  }
0x17a: {  	v5 =	vor.u32 v5, v6  }
0x17b: {  	v6 =	vperm.xlane v5, v2;
	_ =	sdelay $0x1  }
0x17c: {  	v5 =	vperm.xlane v5, v4;
	v6 =	vadd.s32 v3, v6;
	_ =	sdelay $0x1  }
0x17d: {  	v5 =	vadd.s32 v3, v5;
	_ =	sdelay $0x1  }
0x17e: {  	s22 =	simm.s32 $0xD200  }
0x17f: {  	[tilespmem:s22], [sflag:$0x2] =	stream.indirect_vreg.gather [hbm4b:s1+s3], $0x80, v6, vm0, $0xb8;
	[tilespmem:$0x12200] =	vst v63  }
0x180: {  	s23 =	simm.s32 $0xDA00  }
0x181: {  	[tilespmem:s23], [sflag:$0x2] =	stream.indirect_vreg.gather [hbm4b:s1+s3], $0x80, v5, vm0, $0xb8;
	[tilespmem:$0x12200] =	vst v63  }
0x182: {  	v5 =	vld [tilespmem:$0x1E0];
	_ =	sdelay $0x4  }
0x183: {  	v6 =	vshll.u32 v5, $0x1  }
0x184: {  	v5 =	vand.u32 $0x7, v5;
	v6 =	vand.u32 $0xFFFFFFF0, v6  }
0x185: {  	v5 =	vor.u32 v5, v6  }
0x186: {  	v6 =	vperm.xlane v5, v2;
	_ =	sdelay $0x1  }
0x187: {  	v5 =	vperm.xlane v5, v4;
	v6 =	vadd.s32 v3, v6;
	_ =	sdelay $0x1  }
0x188: {  	v5 =	vadd.s32 v3, v5;
	_ =	sdelay $0x1  }
0x189: {  	s22 =	simm.s32 $0xE200  }
0x18a: {  	[tilespmem:s22], [sflag:$0x2] =	stream.indirect_vreg.gather [hbm4b:s1+s3], $0x80, v6, vm0, $0xb8;
	[tilespmem:$0x12200] =	vst v63  }
0x18b: {  	s23 =	simm.s32 $0xEA00  }
0x18c: {  	[tilespmem:s23], [sflag:$0x2] =	stream.indirect_vreg.gather [hbm4b:s1+s3], $0x80, v5, vm0, $0xb8;
	[tilespmem:$0x12200] =	vst v63  }
0x18d: {  	v5 =	vld [tilespmem:$0x1F0];
	_ =	sdelay $0x4  }
0x18e: {  	v6 =	vshll.u32 v5, $0x1  }
0x18f: {  	v5 =	vand.u32 $0x7, v5;
	v6 =	vand.u32 $0xFFFFFFF0, v6  }
0x190: {  	v5 =	vor.u32 v5, v6  }
0x191: {  	v6 =	vperm.xlane v5, v2;
	_ =	sdelay $0x1  }
0x192: {  	v5 =	vperm.xlane v5, v4;
	v6 =	vadd.s32 v3, v6;
	_ =	sdelay $0x1  }
0x193: {  	v5 =	vadd.s32 v3, v5;
	_ =	sdelay $0x1  }
0x194: {  	s22 =	simm.s32 $0xF200  }
0x195: {  	[tilespmem:s22], [sflag:$0x2] =	stream.indirect_vreg.gather [hbm4b:s1+s3], $0x80, v6, vm0, $0xb8;
	[tilespmem:$0x12200] =	vst v63  }
0x196: {  	s23 =	simm.s32 $0xFA00  }
0x197: {  	[tilespmem:s23], [sflag:$0x2] =	stream.indirect_vreg.gather [hbm4b:s1+s3], $0x80, v5, vm0, $0xb8;
	[tilespmem:$0x12200] =	vst v63  }
0x198: {  	v5 =	vld [tilespmem:$0x100];
	_ =	sdelay $0x7  }
0x199: {  	[tilespmem:v5+s10+$0x0] =	vst.idx.add.s32.msk $0xffff, v1  }
0x19a: {  	v5 =	vld [tilespmem:$0x110];
	_ =	sdelay $0x7  }
0x19b: {  	[tilespmem:v5+s10+$0x0] =	vst.idx.add.s32.msk $0xffff, v1  }
0x19c: {  	v5 =	vld [tilespmem:$0x120];
	_ =	sdelay $0x7  }
0x19d: {  	[tilespmem:v5+s10+$0x0] =	vst.idx.add.s32.msk $0xffff, v1  }
0x19e: {  	v5 =	vld [tilespmem:$0x130];
	_ =	sdelay $0x7  }
0x19f: {  	[tilespmem:v5+s10+$0x0] =	vst.idx.add.s32.msk $0xffff, v1  }
0x1a0: {  	v5 =	vld [tilespmem:$0x140];
	_ =	sdelay $0x7  }
0x1a1: {  	[tilespmem:v5+s10+$0x0] =	vst.idx.add.s32.msk $0xffff, v1  }
0x1a2: {  	v5 =	vld [tilespmem:$0x150];
	_ =	sdelay $0x7  }
0x1a3: {  	[tilespmem:v5+s10+$0x0] =	vst.idx.add.s32.msk $0xffff, v1  }
0x1a4: {  	v5 =	vld [tilespmem:$0x160];
	_ =	sdelay $0x7  }
0x1a5: {  	[tilespmem:v5+s10+$0x0] =	vst.idx.add.s32.msk $0xffff, v1  }
0x1a6: {  	v5 =	vld [tilespmem:$0x170];
	_ =	sdelay $0x7  }
0x1a7: {  	[tilespmem:v5+s10+$0x0] =	vst.idx.add.s32.msk $0xffff, v1  }
0x1a8: {  	_ =	swait.ge [sflag:s4], $0x8000  }
0x1a9: {  	[sflag:s4] =	ssyncset.done $0x0  }
0x1aa: {  	s12 =	simm.s32 $0x200;
	s0 =	rddreg [dreg:$0x6];
	[sflag:s4] =	ssyncadd.s32 $0xFFFF8000  }
0x1ab: {  	[hbm4b:s0+s3] =	stream.linear.scatter [tilespmem:s12], [sflag:$0x3], $0x8000, $0x38;
	[tilespmem:$0x12200] =	vst v63  }
0x1ac: {  	_ =	swait.ge [sflag:s11], $0x8000  }
0x1ad: {  	[sflag:s11] =	ssyncset.done $0x0  }
0x1ae: {  	[sflag:s11] =	ssyncadd.s32 $0xFFFF8000  }
0x1af: {  	v5 =	vld [tilespmem:$0x180];
	_ =	sdelay $0x7  }
0x1b0: {  	[tilespmem:v5+s10+$0x0] =	vst.idx.add.s32.msk $0xffff, v1  }
0x1b1: {  	v5 =	vld [tilespmem:$0x190];
	_ =	sdelay $0x7  }
0x1b2: {  	[tilespmem:v5+s10+$0x0] =	vst.idx.add.s32.msk $0xffff, v1  }
0x1b3: {  	v5 =	vld [tilespmem:$0x1A0];
	_ =	sdelay $0x7  }
0x1b4: {  	[tilespmem:v5+s10+$0x0] =	vst.idx.add.s32.msk $0xffff, v1  }
0x1b5: {  	v5 =	vld [tilespmem:$0x1B0];
	_ =	sdelay $0x7  }
0x1b6: {  	[tilespmem:v5+s10+$0x0] =	vst.idx.add.s32.msk $0xffff, v1  }
0x1b7: {  	v5 =	vld [tilespmem:$0x1C0];
	_ =	sdelay $0x7  }
0x1b8: {  	[tilespmem:v5+s10+$0x0] =	vst.idx.add.s32.msk $0xffff, v1  }
0x1b9: {  	v5 =	vld [tilespmem:$0x1D0];
	_ =	sdelay $0x7  }
0x1ba: {  	[tilespmem:v5+s10+$0x0] =	vst.idx.add.s32.msk $0xffff, v1  }
0x1bb: {  	v5 =	vld [tilespmem:$0x1E0];
	_ =	sdelay $0x7  }
0x1bc: {  	[tilespmem:v5+s10+$0x0] =	vst.idx.add.s32.msk $0xffff, v1  }
0x1bd: {  	v5 =	vld [tilespmem:$0x1F0];
	_ =	sdelay $0x7  }
0x1be: {  	[tilespmem:v5+s10+$0x0] =	vst.idx.add.s32.msk $0xffff, v1  }
0x1bf: {  	_ =	swait.ge [sflag:s2], $0x8000  }
0x1c0: {  	[sflag:s2] =	ssyncset.done $0x0  }
0x1c1: {  	s23 =	rddreg [dreg:$0x7];
	[sflag:s2] =	ssyncadd.s32 $0xFFFF8000  }
0x1c2: {  	[hbm4b:s23+s3] =	stream.linear.scatter [tilespmem:s19], [sflag:$0x3], $0x8000, $0x38;
	[tilespmem:$0x12200] =	vst v63  }
0x1c3: {  	_ =	swait.ge [sflag:s11], $0x8000  }
0x1c4: {  	s12 =	simm.s32 $0x400;
	[sflag:s11] =	ssyncset.done $0x0  }
0x1c5: {  	s2 =	simm.s32 $0x80;
	s0 =	rddreg [dreg:$0x8];
	[sflag:s11] =	ssyncadd.s32 $0xFFFF8000  }
0x1c6: {  	[hbm4b:s0+s2] =	stream.strided.scatter [tilespmem:s10], [sflag:$0x3], $0x2000, s12, s2, $0x38;
	[tilespmem:$0x12200] =	vst v63  }
0x1c7: {  	_ =	swait.ge [sflag:s11], $0x2000  }
0x1c8: {  	s21 =	sadd.s32 $0x1, s21;
	s23 =	rddreg [dreg:$0x9]  }
0x1c9: {  	p0 =	sne.s32 s21, s23  }
.Ltmp1:
0x1ca: {  	_ = 	snop;
	(pc) =	sbr.rel @p0 .LBB2_1-.Ltmp1, $3  }
0x1cb: {  	_ =	sdelay $0x1  }
0x1cc: {  	[sflag:s11] =	ssyncset.done $0x0  }
0x1cd: {  	[sflag:s11] =	ssyncadd.s32 $0xFFFFE000  }
0x1ce: {  	_ =	sfence.sel $0x180000  }
0x1cf: {  	[bflag:$0x0] =	sbarrier.arrive $0xFFFF  }
0x1d0: {  	_ =	strace $0x9000004A  }
0x1d1: {  	s0 =	stileid.u32;
	[bflag:$0x2] =	sbarrier.arrive $0xFFFF  }
0x1d2: {  	p0 =	sne.s32 s0, $0x0;
	s0 =	rddreg [dreg:$0x3]  }
0x1d3: {  	s0 =	sadd.s32 @!p0 $0x100000, s0  }
0x1d4: {  	[sflag:s0] =	ssyncadd.tile.s32 @!p0 $0x1;
	_ =	shalt  }
.Lfunc_end2:
_tile_overlayer_lowered:
.L_overlay_start_2:
0x1d5: {  	(tag) =	ssettag $0x2  }
0x1d6: {  	s0 =	rddreg [dreg:$0x0];
	s2 =	stileid.u32  }
0x1d7: {  	s1 =	rddreg [dreg:$0x1];
	p0 =	sne.s32 s2, $0x0  }
0x1d8: {  	s3 =	rddreg [dreg:$0x2];
	[bflag:$0x3] =	sbarrier.arrive $0xFFFF;
	s2 =	simm.s32 @!p0 $0x1C03  }
0x1d9: {  	[timem:s3], [sflag:s2] =	dma.local @!p0 [hbm:s0], s1  }
0x1da: {  	s0 =	simm.s32 @!p0 $0x3  }
0x1db: {  	_ =	swait.ge @!p0 [sflag:s0], s1  }
0x1dc: {  	s1 =	ssub.s32 @!p0 $0x0, s1;
	[sflag:s0] =	ssyncset.done @!p0 $0x0  }
0x1dd: {  	[sflag:s0] =	ssyncadd.s32 @!p0 s1  }
0x1de: {  	[bflag:$0x3] =	sbarrier.arrive $0xFFFF  }
0x1df: {  	_ =	shalt  }

// kernel: scatter_offload_async_start
scs
__scs_entry_jumppad:
0x0: {  	(pc) =	sbr.rel $0x88, $3  }
0x1: {  	(tag) =	ssettag $0x0;
	lr =	simm.s32 $0x1  }
0x2: {  	[smem:$0x3F9D] =	sst lr;
	_ =	strace $0xD0000000  }
0x3: {  	_ = 	snop  }
0x4: {  	_ = 	snop  }
0x5: {  	_ = 	snop  }
0x6: {  	_ = 	snop  }
0x7: {  	_ = 	snop  }
__scs_overlays_trampoline_lowered:
0x8: {  	[smem:$0x3FAC] =	sst s0  }
0x9: {  	[smem:$0x3FAD] =	sst s1  }
0xa: {  	[smem:$0x3FAE] =	sst s2  }
0xb: {  	[smem:$0x3FAF] =	sst s3  }
0xc: {  	[smem:$0x3FB0] =	sst s4  }
0xd: {  	[smem:$0x3FB1] =	sst s5  }
0xe: {  	[smem:$0x3FB2] =	sst s6  }
0xf: {  	[smem:$0x3FB3] =	sst s7  }
0x10: {  	[smem:$0x3FB4] =	sst s8  }
0x11: {  	[smem:$0x3FB5] =	sst s9;
	s0 =	simm.s32 @!p0 $0x0  }
0x12: {  	s1 =	sld [smem:$0x3F9B];
	s0 =	simm.s32 @p0 $0x1  }
0x13: {  	[smem:$0x3FB6] =	sst s0;
	s0 =	simm.s32 @!p1 $0x0  }
0x14: {  	s2 =	sld [smem:$0x3F9A];
	s0 =	simm.s32 @p1 $0x1  }
0x15: {  	[smem:$0x3FB7] =	sst s0;
	s0 =	simm.s32 @!p2 $0x0  }
0x16: {  	s3 =	sld [smem:$0x3FDB];
	s0 =	simm.s32 @p2 $0x1  }
0x17: {  	s4 =	simm.s32 $0x1BF5;
	[smem:$0x3FB9] =	sst s0  }
0x18: {  	s0 =	sld [smem:$0x3F9C];
	_ =	swait.ge [sflag:s4], $0x0  }
0x19: {  	s7 =	sld [smem:$0x3F9D]  }
0x1a: {  	s8 =	sadd.s32 $0xFFFFE003, lr  }
0x1b: {  	s9 =	sadd.s32 $0xFFFFFEF7, lr;
	s5 =	simm.s32 $0xFFFFFFFF;
	p2 =	slt.u32 s8, $0xFFFFF086  }
0x1c: {  	p1 =	slt.u32 s9, $0xF7A;
	s5 =	simm.s32 @!p2 $0x0  }
0x1d: {  	s5 =	simm.s32 @p1 $0x1;
	p0 =	seq.s32 s7, s2  }
0x1e: {  	s7 =	smul.u32 @!p0 $0xF7A, s2;
	p2 =	seq.s32 @!p0 s5, $0x0  }
0x1f: {  	s9 =	smul.u32 $0xF7A, s1;
	s8 =	simm.s32 @!p0 $0x1BF5;
	p2 =	por !p2, p0  }
0x20: {  	[sflag:s8] =	ssyncset.s32 @!p0 $0xFFFFF086;
	s6 =	sadd.s32 @!p0 s3, s7;
	s7 =	simm.s32 @!p0 $0x108  }
0x21: {  	s3 =	sadd.s32 s3, s9;
	s6 =	sadd.s32 @!p0 $0x88, s6;
	s7 =	simm.s32 @p2 $0x1082  }
0x22: {  	[simem:s7], [sflag:s8] =	dma.local @!p0 [hbm:s6], $0xF7A  }
0x23: {  	s9 =	sor.u32 $0xD0000000, s2;
	s6 =	simm.s32 $0x108;
	_ =	swait.ge @!p0 [sflag:s8], $0x0  }
0x24: {  	s3 =	sadd.s32 $0x88, s3;
	s6 =	simm.s32 @!p1 $0x1082;
	[sflag:s4] =	ssyncset.s32 $0xFFFFF086  }
0x25: {  	[simem:s6], [sflag:s4] =	dma.local [hbm:s3], $0xF7A  }
0x26: {  	[smem:$0x3F9D] =	sst s1;
	(tag) =	ssettag s2;
	_ =	strace s9  }
0x27: {  	s1 =	sld [smem:$0x3FAD]  }
0x28: {  	s2 =	sld [smem:$0x3FAE]  }
0x29: {  	s4 =	sld [smem:$0x3FB0]  }
0x2a: {  	p0 =	seq.s32 s5, $0x0;
	s5 =	sld [smem:$0x3FB1]  }
0x2b: {  	s6 =	sld [smem:$0x3FB2]  }
0x2c: {  	s7 =	sld [smem:$0x3FB3]  }
0x2d: {  	s3 =	simm.s32 $0x108;
	s8 =	sld [smem:$0x3FB4]  }
0x2e: {  	s3 =	simm.s32 @!p0 $0x1082;
	s9 =	sld [smem:$0x3FB5]  }
0x2f: {  	lr =	sadd.s32 s0, s3;
	s0 =	sld [smem:$0x3FAC]  }
0x30: {  	s3 =	sld [smem:$0x3FAF]  }
0x31: {  	[smem:$0x3FB8] =	sst s10  }
0x32: {  	s10 =	sld [smem:$0x3FB6];
	_ =	sdelay $0x3  }
0x33: {  	p0 =	seq.s32 s10, $0x1;
	s10 =	sld [smem:$0x3FB8];
	_ =	sdelay $0x3  }
0x34: {  	[smem:$0x3FB8] =	sst s10  }
0x35: {  	s10 =	sld [smem:$0x3FB7];
	_ =	sdelay $0x3  }
0x36: {  	p1 =	seq.s32 s10, $0x1;
	s10 =	sld [smem:$0x3FB8];
	_ =	sdelay $0x3  }
0x37: {  	[smem:$0x3FB8] =	sst s10  }
0x38: {  	s10 =	sld [smem:$0x3FB9]  }
0x39: {  	_ = 	snop;
	(pc) =	sbr.ind lr, $3  }
0x3a: {  	_ = 	snop  }
0x3b: {  	_ = 	snop  }
0x3c: {  	p2 =	seq.s32 s10, $0x1;
	s10 =	sld [smem:$0x3FB8]  }
0x3d: {  	_ =	shalt  }
0x3e: {  	_ =	shalt  }
0x3f: {  	_ =	shalt  }
0x40: {  	_ =	shalt  }
0x41: {  	_ =	shalt  }
0x42: {  	_ =	shalt  }
0x43: {  	_ =	shalt  }
0x44: {  	_ =	shalt  }
0x45: {  	_ =	shalt  }
0x46: {  	_ =	shalt  }
0x47: {  	_ =	shalt  }
0x48: {  	_ =	shalt  }
0x49: {  	_ =	shalt  }
0x4a: {  	_ =	shalt  }
0x4b: {  	_ =	shalt  }
0x4c: {  	_ =	shalt  }
0x4d: {  	_ =	shalt  }
0x4e: {  	_ =	shalt  }
0x4f: {  	_ =	shalt  }
0x50: {  	_ =	shalt  }
0x51: {  	_ =	shalt  }
0x52: {  	_ =	shalt  }
0x53: {  	_ =	shalt  }
0x54: {  	_ =	shalt  }
0x55: {  	_ =	shalt  }
0x56: {  	_ =	shalt  }
0x57: {  	_ =	shalt  }
0x58: {  	_ =	shalt  }
0x59: {  	_ =	shalt  }
0x5a: {  	_ =	shalt  }
0x5b: {  	_ =	shalt  }
0x5c: {  	_ =	shalt  }
0x5d: {  	_ =	shalt  }
0x5e: {  	_ =	shalt  }
0x5f: {  	_ =	shalt  }
0x60: {  	_ =	shalt  }
0x61: {  	_ =	shalt  }
0x62: {  	_ =	shalt  }
0x63: {  	_ =	shalt  }
0x64: {  	_ =	shalt  }
0x65: {  	_ =	shalt  }
0x66: {  	_ =	shalt  }
0x67: {  	_ =	shalt  }
0x68: {  	_ =	shalt  }
0x69: {  	_ =	shalt  }
0x6a: {  	_ =	shalt  }
0x6b: {  	_ =	shalt  }
0x6c: {  	_ =	shalt  }
0x6d: {  	_ =	shalt  }
0x6e: {  	_ =	shalt  }
0x6f: {  	_ =	shalt  }
0x70: {  	_ =	shalt  }
0x71: {  	_ =	shalt  }
0x72: {  	_ =	shalt  }
0x73: {  	_ =	shalt  }
0x74: {  	_ =	shalt  }
0x75: {  	_ =	shalt  }
0x76: {  	_ =	shalt  }
0x77: {  	_ =	shalt  }
0x78: {  	_ =	shalt  }
0x79: {  	_ =	shalt  }
0x7a: {  	_ =	shalt  }
0x7b: {  	_ =	shalt  }
0x7c: {  	_ =	shalt  }
0x7d: {  	_ =	shalt  }
0x7e: {  	_ =	shalt  }
0x7f: {  	_ =	shalt  }
0x80: {  	_ =	shalt  }
0x81: {  	_ =	shalt  }
0x82: {  	_ =	shalt  }
0x83: {  	_ =	shalt  }
0x84: {  	_ =	shalt  }
0x85: {  	_ =	shalt  }
0x86: {  	_ =	shalt  }
0x87: {  	_ =	shalt  }
.Lfunc_end0:
.L_simem_size_0:
called_computation_lowered:
.L_overlay_start_0:
0x88: {  	s0 =	sld [smem:$0x3FD9]  }
0x89: {  	s1 =	sld [smem:$0x3FFE];
	_ =	sdelay $0x3  }
0x8a: {  	s0 =	sadd.s32 s1, s0  }
0x8b: {  	[smem:$0x3FC4] =	sst s0  }
0x8c: {  	_ = 	snop  }
0x8d: {  	(tm) =	ssettm $0x1  }
0x8e: {  	s15 =	sld [smem:$0x3FFB];
	_ =	sdelay $0x3  }
0x8f: {  	_ =	strace s15  }
0x90: {  	s0 =	sld [smem:$0x3FFC];
	_ =	sdelay $0x3  }
0x91: {  	_ =	strace s0  }
0x92: {  	s0 =	sld [smem:$0x3FFD];
	_ =	sdelay $0x3  }
0x93: {  	_ =	strace s0  }
0x94: {  	_ =	strace $0x8FFFFFFF  }
0x95: {  	s16 =	sld [smem:$0x3FDB];
	_ =	sdelay $0x1  }
0x96: {  	s17 =	simm.s32 $_scs_section_size  }
0x97: {  	s2 =	simm.s32 $_size__tile_overlayer_lowered;
	s3 =	simm.s32 $_tile_overlayer_lowered  }
0x98: {  	s20 =	simm.s32 $0x1BFF;
	s19 =	sshll.u32 s3, $0x1;
	s0 =	sadd.s32 s17, s16  }
0x99: {  	s4 =	simm.s32 $0x0;
	s18 =	sshll.u32 s2, $0x1;
	s2 =	sadd.s32 s19, s0  }
0x9a: {  	[timem:s4], [sflag:s20] =	dma.local [hbm:s2], s18  }
0x9b: {  	_ =	swait.ge [sflag:s20], s18  }
0x9c: {  	s1 =	ssub.s32 $0x0, s18;
	[sflag:s20] =	ssyncset.done $0x0  }
0x9d: {  	[sflag:s20] =	ssyncadd.s32 s1;
	_ =	sdelay $0x1  }
0x9e: {  	s21 =	simm.s32 $0x1B8B  }
0x9f: {  	_ =	swait.ge [sflag:s21], $0x1  }
0xa0: {  	[sflag:s21] =	ssyncset.done $0x0  }
0xa1: {  	s23 =	simm.s32 $0x1B8E;
	s22 =	sld [smem:$0x3FFE];
	[sflag:s21] =	ssyncadd.s32 $0xFFFFFFFF  }
0xa2: {  	s24 =	simm.s32 $execute0_lowered;
	[smem:$0x3FD2] =	sst s23  }
0xa3: {  	s2 =	sshll.u32 s24, $0x1;
	_ =	strace $0x80000046;
	[dreg:$0x1] =	wrdreg $0xFFFFFFFF  }
0xa4: {  	s25 =	simm.s32 $_size_execute0_lowered;
	s0 =	sadd.s32 s0, s2;
	[dreg:$0x0] =	wrdreg $0x0  }
0xa5: {  	s2 =	sshll.u32 s25, $0x1;
	[dreg:$0x2] =	wrdreg s0  }
0xa6: {  	[dreg:$0x3] =	wrdreg s2  }
0xa7: {  	[dreg:$0x4] =	wrdreg $0xC0  }
0xa8: {  	_ =	task [dreg:s4], $0x5FFFF  }
0xa9: {  	[dreg:$0x1] =	wrdreg $0xFFFFFFFF  }
0xaa: {  	[dreg:$0x0] =	wrdreg $0x60  }
0xab: {  	[dreg:$0x2] =	wrdreg s22  }
0xac: {  	[dreg:$0x3] =	wrdreg $0x9  }
0xad: {  	_ =	task.clear_ibuf [dreg:s4], $0x4FFFF;
	_ =	strace $0x90000046  }
0xae: {  	s26 =	simm.s32 $0x9;
	_ =	strace $0x80000048  }
0xaf: {  	_ =	swait.ge [sflag:s26], $0x1  }
0xb0: {  	[sflag:s26] =	ssyncadd.s32 $0xFFFFFFFF  }
0xb1: {  	_ =	strace $0x90000048  }
0xb2: {  	_ =	sfence  }
0xb3: {  	s28 =	sld [smem:$0x0];
	_ =	sdelay $0x1  }
0xb4: {  	s29 =	srdreg.scid  }
0xb5: {  	s30 =	sshll.u32 s29, $0xD;
	s31 =	sshrl.u32 s29, $0x2  }
0xb6: {  	s1 =	sand.u32 $0x1, s29;
	s2 =	sand.u32 $0x4000, s30;
	s0 =	sadd.s32 s31, s28  }
0xb7: {  	s1 =	sor.u32 s2, s1;
	s0 =	sshll.u32 s0, $0x11  }
0xb8: {  	s0 =	sor.u32 s0, s1  }
0xb9: {  	s0 =	sadd.s32 $0x8F2B, s0  }
0xba: {  	[sflag:s0] =	ssyncadd.remote.s32 $0x1  }
0xbb: {  	_ =	sfence.sel $0xFFFF  }
0xbc: {  	[dreg:$0x0] =	wrdreg $0xFFFFFFFF;
	(pc) =	sbr.abs _section_cstart, $3  }
0xbd: {  	[dreg:$0x1] =	wrdreg $0xFFFFFFFF  }
0xbe: {  	_ =	task.clear_ibuf [dreg:s4], $0x2FFFF;
	_ =	strace $0x9FFFFFFF  }
0xbf: {  	(tm) =	ssettm $0x7FFFFFFF  }
tec
execute0_lowered:
.L_overlay_start_1:
0x0: {  	(tag) =	ssettag $0x1  }
0x1: {  	s2 =	rddreg [dreg:$0x0]  }
0x2: {  	s0 =	rddreg [dreg:$0x1];
	_ =	strace $0x80000047;
	s3 =	stileid.u32  }
0x3: {  	s4 =	simm.s32 $0x3E;
	s1 =	sadd.s32 $0x1800, s2;
	p0 =	sne.s32 s3, $0x0  }
0x4: {  	[sflag:s4] =	ssyncpa.u1 $0x0;
	s5 =	simm.s32 @!p0 $0x1C3E;
	s6 =	simm.s32 @!p0 $0x0  }
0x5: {  	[spmem:s6], [sflag:s5] =	dma.local @!p0 [hbm:s1], $0x400  }
0x6: {  	s5 =	simm.s32 @!p0 $0x3E  }
0x7: {  	_ =	swait.ge @!p0 [sflag:s5], $0x400  }
0x8: {  	[sflag:s5] =	ssyncset.done @!p0 $0x0  }
0x9: {  	s26 =	simm.s32 $0x1;
	[sflag:s5] =	ssyncadd.s32 @!p0 $0xFFFFFC00  }
0xa: {  	s29 =	simm.s32 $0x2;
	s7 =	simm.s32 $0x600;
	[bflag:$0x0] =	sbarrier.arrive $0xFFFF  }
0xb: {  	s28 =	sadd.s32 $0x800, s2;
	s30 =	sadd.s32 $0x1000, s2;
	[sflag:s4] =	ssyncpa.u1 $0x1  }
0xc: {  	s3 =	sshll.u32 s3, $0x7;
	s2 =	simm.s32 $0x0;
	[sflag:s26] =	ssyncpa.u1 $0x0  }
0xd: {  	s4 =	sadd.s32 s28, s3;
	(ifvalue) =	ssetifvalue $0x2000;
	[sflag:s29] =	ssyncpa.u1 $0x0  }
0xe: {  	[tilespmem:s7], [sflag:$0x2] =	stream.linear.gather [hbm4b:s4+s2], $0x400, $0x38;
	[tilespmem:$0x1200] =	vst v63  }
0xf: {  	s31 =	sadd.s32 s30, s3;
	s3 =	simm.s32 $0xE00  }
0x10: {  	[tilespmem:s3], [sflag:$0x2] =	stream.linear.gather [hbm4b:s31+s2], $0x400, $0x38;
	[tilespmem:$0x1200] =	vst v63  }
0x11: {  	_ =	swait.ge [sflag:s29], $0x800  }
0x12: {  	[sflag:s29] =	ssyncset.done $0x0  }
0x13: {  	[sflag:s29] =	ssyncadd.s32 $0xFFFFF800  }
0x14: {  	v0 =	vld.msk [tilespmem:s7+$0x0 ss:$0x1], $0xffff;
	_ =	sdelay $0x4  }
0x15: {  	v0 =	vmin.u32 v0, $0x2000;
	_ =	sdelay $0x3  }
0x16: {  	vm0 =	vmmov $0xffff;
	s5 =	simm.s32 $0x610;
	s4 =	simm.s32 $0x0  }
0x17: {  	[spmem:s2] =	stream.indirect_vreg.scatter.add.s32 [tilespmem:s3], [sflag:$0x1], $0x1, v0, vm0, $0x4038;
	[tilespmem:$0x1200] =	vst v63  }
.LBB2_1:
0x18: {  	v0 =	vld.msk [tilespmem:s5+$0x0 ss:$0x1], $0xffff;
	s4 =	sadd.s32 $0x10, s4  }
0x19: {  	p1 =	slt.u32 s4, $0x3F0;
	_ =	sdelay $0x4  }
0x1a: {  	v0 =	vmin.u32 v0, $0x2000  }
.Ltmp0:
0x1b: {  	(pc) =	sbr.rel @p1 .LBB2_1-.Ltmp0, $3  }
0x1c: {  	_ =	sdelay $0x1  }
0x1d: {  	s5 =	sadd.s32 $0x10, s5;
	s3 =	sadd.s32 $0x10, s3  }
0x1e: {  	[spmem:s2] =	stream.indirect_vreg.scatter.add.s32 [tilespmem:s3], [sflag:$0x1], $0x1, v0, vm0, $0x4038;
	[tilespmem:$0x1200] =	vst v63  }
0x1f: {  	s2 =	simm.s32 $0x1  }
0x20: {  	_ =	swait.ge [sflag:s2], $0x400  }
0x21: {  	[sflag:s2] =	ssyncset.done $0x0  }
0x22: {  	[sflag:s2] =	ssyncadd.s32 $0xFFFFFC00  }
0x23: {  	_ =	sfence.sel $0x180000  }
0x24: {  	s3 =	simm.s32 $0x2;
	[bflag:$0x0] =	sbarrier.arrive $0xFFFF  }
0x25: {  	[sflag:s3] =	ssyncpa.u1 $0x1  }
0x26: {  	[sflag:s2] =	ssyncpa.u1 $0x1  }
0x27: {  	_ =	sfence.stream.spmem  }
0x28: {  	s31 =	simm.s32 $0x3D;
	[bflag:$0x0] =	sbarrier.arrive $0xFFFF  }
0x29: {  	s2 =	simm.s32 @p0 $0x3D;
	[sflag:s31] =	ssyncpa.u1 $0x0  }
0x2a: {  	[sflag:s2] =	ssyncpa.u1 @p0 $0x1  }
0x2b: {  	[bflag:$0x0] =	sbarrier.arrive @p0 $0xFFFF  }
0x2c: {  	_ =	strace @p0 $0x90000047  }
0x2d: {  	s3 =	simm.s32 @!p0 $0x1C3D;
	s2 =	simm.s32 @!p0 $0x0;
	[bflag:$0x2] =	sbarrier.arrive @p0 $0xFFFF  }
0x2e: {  	[hbm:s1], [sflag:s3] =	dma.local @!p0 [spmem:s2], $0x400  }
0x2f: {  	s1 =	simm.s32 @!p0 $0x3D  }
0x30: {  	_ =	swait.ge @!p0 [sflag:s1], $0x400  }
0x31: {  	[sflag:s1] =	ssyncset.done @!p0 $0x0  }
0x32: {  	[sflag:s1] =	ssyncadd.s32 @!p0 $0xFFFFFC00  }
0x33: {  	[sflag:s1] =	ssyncpa.u1 @!p0 $0x1  }
0x34: {  	[bflag:$0x0] =	sbarrier.arrive @!p0 $0xFFFF  }
0x35: {  	_ =	strace @!p0 $0x90000047  }
0x36: {  	s0 =	sadd.s32 @!p0 $0x100000, s0;
	[bflag:$0x2] =	sbarrier.arrive @!p0 $0xFFFF  }
0x37: {  	[sflag:s0] =	ssyncadd.tile.s32 @!p0 $0x1;
	_ =	shalt  }
.Lfunc_end2:
_tile_overlayer_lowered:
.L_overlay_start_2:
0x38: {  	(tag) =	ssettag $0x2  }
0x39: {  	s0 =	rddreg [dreg:$0x0];
	s2 =	stileid.u32  }
0x3a: {  	s1 =	rddreg [dreg:$0x1];
	p0 =	sne.s32 s2, $0x0  }
0x3b: {  	s3 =	rddreg [dreg:$0x2];
	[bflag:$0x3] =	sbarrier.arrive $0xFFFF;
	s2 =	simm.s32 @!p0 $0x1C01  }
0x3c: {  	[timem:s3], [sflag:s2] =	dma.local @!p0 [hbm:s0], s1  }
0x3d: {  	s0 =	simm.s32 @!p0 $0x1  }
0x3e: {  	_ =	swait.ge @!p0 [sflag:s0], s1  }
0x3f: {  	s1 =	ssub.s32 @!p0 $0x0, s1;
	[sflag:s0] =	ssyncset.done @!p0 $0x0  }
0x40: {  	[sflag:s0] =	ssyncadd.s32 @!p0 s1  }
0x41: {  	[bflag:$0x3] =	sbarrier.arrive $0xFFFF  }
0x42: {  	_ =	shalt  }

</sc_bundles>
